<compile_context>
chip_gen: v7x
topology: tpu7x:2x2x1
jax: 0.10.2.dev20260603
libtpu: 0.0.44.dev20260713+nightly
codegen_flags: <defaults>
</compile_context>

<pallas_src>
import jax
import jax.numpy as jnp
from jax.experimental import pallas as pl
from jax.experimental.pallas import tpu as pltpu

PRE_K = 2000
KP = 2048
POST_K = 1000
THRESH = 0.7
B = 128
NB = KP // B


def _nms_keep_kernel(x1r_ref, y1r_ref, x2r_ref, y2r_ref,
                     x1q_ref, y1q_ref, x2q_ref, y2q_ref,
                     keep_ref, s_ref, sbb_ref):
    x1q = x1q_ref[:, :, :]
    y1q = y1q_ref[:, :, :]
    x2q = x2q_ref[:, :, :]
    y2q = y2q_ref[:, :, :]
    area_q = (x2q - x1q) * (y2q - y1q)

    blk_ids = jax.lax.broadcasted_iota(jnp.int32, (NB, B), 0)
    lane_ids = jax.lax.broadcasted_iota(jnp.int32, (1, B), 1)
    row_bb = jax.lax.broadcasted_iota(jnp.int32, (B, B), 0)
    col_bb = jax.lax.broadcasted_iota(jnp.int32, (B, B), 1)
    eye = row_bb == col_bb
    upper = (col_bb > row_bb).astype(jnp.float32)

    def outer(bi, keep):
        base = bi * B
        x1r = x1r_ref[pl.ds(base, B)]
        y1r = y1r_ref[pl.ds(base, B)]
        x2r = x2r_ref[pl.ds(base, B)]
        y2r = y2r_ref[pl.ds(base, B)]
        area_r = (x2r - x1r) * (y2r - y1r)
        xx1 = jnp.maximum(x1r, x1q)
        yy1 = jnp.maximum(y1r, y1q)
        xx2 = jnp.minimum(x2r, x2q)
        yy2 = jnp.minimum(y2r, y2q)
        iw = jnp.clip(xx2 - xx1, 0.0)
        ih = jnp.clip(yy2 - yy1, 0.0)
        inter = iw * ih
        union = area_r + area_q - inter
        iou = inter / (union + 1e-9)
        s_ref[:, :, :] = jnp.where(iou > THRESH, 1.0, 0.0)
        sbb_ref[:, :] = s_ref[:, pl.ds(bi, 1), :].reshape(B, B) * upper

        kb0 = jnp.max(jnp.where(blk_ids == bi, keep, 0.0), axis=0,
                      keepdims=True)

        def inner(i, kb):
            ki = jnp.max(jnp.where(lane_ids == i, kb, 0.0), axis=1,
                         keepdims=True)
            return kb * (1.0 - ki * sbb_ref[pl.ds(i, 1), :])

        kb = jax.lax.fori_loop(0, B, inner, kb0, unroll=4)

        kbr = jnp.max(jnp.where(eye, kb, 0.0), axis=1, keepdims=True)
        sup = jnp.max(s_ref[:, :, :] * kbr.reshape(B, 1, 1), axis=0)
        future = (blk_ids > bi).astype(jnp.float32)
        keep = keep * (1.0 - sup * future)
        keep = jnp.where(blk_ids == bi, kb, keep)
        return keep

    keep = jnp.ones((NB, B), jnp.float32)
    keep = jax.lax.fori_loop(0, NB, outer, keep)
    keep_ref[:, :] = keep


def _nms_keep(x1, y1, x2, y2):
    r = lambda v: v.reshape(KP, 1, 1)
    q = lambda v: v.reshape(1, NB, B)
    keep_f = pl.pallas_call(
        _nms_keep_kernel,
        out_shape=jax.ShapeDtypeStruct((NB, B), jnp.float32),
        scratch_shapes=[pltpu.VMEM((B, NB, B), jnp.float32),
                        pltpu.VMEM((B, B), jnp.float32)],
    )(r(x1), r(y1), r(x2), r(y2), q(x1), q(y1), q(x2), q(y2))
    return keep_f.reshape(KP)[:PRE_K] > 0.5


def kernel(boxes, scores):
    x1 = jnp.minimum(boxes[:, 0], boxes[:, 2])
    y1 = jnp.minimum(boxes[:, 1], boxes[:, 3])
    x2 = jnp.maximum(boxes[:, 0], boxes[:, 2])
    y2 = jnp.maximum(boxes[:, 1], boxes[:, 3])
    valid = ((x2 - x1) > 0.0) & ((y2 - y1) > 0.0)
    scores_m = jnp.where(valid, scores, -1e30)
    top_scores, idx = jax.lax.top_k(scores_m, PRE_K)

    bx1 = jnp.take(x1, idx)
    by1 = jnp.take(y1, idx)
    bx2 = jnp.take(x2, idx)
    by2 = jnp.take(y2, idx)

    pad = KP - PRE_K
    keep = _nms_keep(jnp.pad(bx1, (0, pad)), jnp.pad(by1, (0, pad)),
                     jnp.pad(bx2, (0, pad)), jnp.pad(by2, (0, pad)))

    masked = jnp.where(keep, top_scores, -1e30)
    _, sel = jax.lax.top_k(masked, POST_K)
    b = jnp.stack([bx1, by1, bx2, by2], axis=1)
    out_boxes = jnp.take(b, sel, axis=0)
    out_scores = jnp.where(jnp.take(keep, sel), jnp.take(top_scores, sel), 0.0)
    return jnp.concatenate([out_boxes, out_scores[:, None]], axis=1)

# --- scband reference (transcript-rebuilt; emitter-appended) ---
"""Pipeline reference for scband-offline-ae-rpn-20074677141677 (READ-ONLY COPY).

The authoritative reference and input builder live on the scoring server;
editing this copy changes nothing except your own understanding.
"""

import jax, jax.numpy as jnp
import numpy as np

N = 20000
PRE_NMS_TOPK = 2000
POST_NMS_TOPK = 1000
NMS_THRESH = 0.7
MIN_BOX_SIZE = 0.0


def setup_inputs(seed: int = 0) -> dict:
    key = jax.random.key(seed)
    k1, k2 = jax.random.split(key)
    raw = jax.random.uniform(k1, (N, 4), dtype=jnp.float32)
    cx = raw[:, 0] * 1024.0
    cy = raw[:, 1] * 1024.0
    w = raw[:, 2] * 200.0 + 1.0
    h = raw[:, 3] * 200.0 + 1.0
    boxes = jnp.stack([cx - w / 2, cy - h / 2, cx + w / 2, cy + h / 2], axis=1)
    scores = jax.random.uniform(k2, (N,), dtype=jnp.float32)
    return {"boxes": boxes, "scores": scores}


def _pairwise_iou(b):
    x1, y1, x2, y2 = b[:, 0], b[:, 1], b[:, 2], b[:, 3]
    area = (x2 - x1) * (y2 - y1)
    xx1 = jnp.maximum(x1[:, None], x1[None, :])
    yy1 = jnp.maximum(y1[:, None], y1[None, :])
    xx2 = jnp.minimum(x2[:, None], x2[None, :])
    yy2 = jnp.minimum(y2[:, None], y2[None, :])
    iw = jnp.clip(xx2 - xx1, 0.0)
    ih = jnp.clip(yy2 - yy1, 0.0)
    inter = iw * ih
    union = area[:, None] + area[None, :] - inter
    return inter / (union + 1e-9)


def reference(boxes, scores):
    # canonicalize boxes to valid x1y1x2y2
    x1 = jnp.minimum(boxes[:, 0], boxes[:, 2])
    y1 = jnp.minimum(boxes[:, 1], boxes[:, 3])
    x2 = jnp.maximum(boxes[:, 0], boxes[:, 2])
    y2 = jnp.maximum(boxes[:, 1], boxes[:, 3])
    boxes_c = jnp.stack([x1, y1, x2, y2], axis=1)
    # filter degenerate boxes (min_box_size), like RPN's find_top_rpn_proposals
    valid = ((x2 - x1) > MIN_BOX_SIZE) & ((y2 - y1) > MIN_BOX_SIZE)
    scores_m = jnp.where(valid, scores, -1e30)
    # pre-NMS top-k by objectness score
    top_scores, idx = jax.lax.top_k(scores_m, PRE_NMS_TOPK)
    b = jnp.take(boxes_c, idx, axis=0)
    # pairwise IoU among pre-NMS candidates
    iou = _pairwise_iou(b)
    ar = jnp.arange(PRE_NMS_TOPK)
    # greedy NMS: iterate in score order, suppress lower-scored overlaps
    def body(keep, i):
        sup = (iou[i] > NMS_THRESH) & keep[i] & (ar > i)
        keep = keep & (~sup)
        return keep, None
    keep, _ = jax.lax.scan(body, jnp.ones((PRE_NMS_TOPK,), dtype=bool), ar)
    # post-NMS top-k among survivors
    masked = jnp.where(keep, top_scores, -1e30)
    _, sel = jax.lax.top_k(masked, POST_NMS_TOPK)
    out_boxes = jnp.take(b, sel, axis=0)
    out_scores = jnp.where(jnp.take(keep, sel), jnp.take(top_scores, sel), 0.0)
    return jnp.concatenate([out_boxes, out_scores[:, None]], axis=1)

if __name__ == "__main__":
    import jax
    _d = setup_inputs()
    print(jax.jit(kernel)(*tuple(_d.values())))

</pallas_src>

<mosaic_0001>
module attributes {stable_mosaic.version = 14 : i64} {
  func.func @_nms_keep_kernel(%arg0: memref<2048x1x1xf32, #tpu.memory_space<vmem>>, %arg1: memref<2048x1x1xf32, #tpu.memory_space<vmem>>, %arg2: memref<2048x1x1xf32, #tpu.memory_space<vmem>>, %arg3: memref<2048x1x1xf32, #tpu.memory_space<vmem>>, %arg4: memref<1x16x128xf32, #tpu.memory_space<vmem>>, %arg5: memref<1x16x128xf32, #tpu.memory_space<vmem>>, %arg6: memref<1x16x128xf32, #tpu.memory_space<vmem>>, %arg7: memref<1x16x128xf32, #tpu.memory_space<vmem>>, %arg8: memref<16x128xf32, #tpu.memory_space<vmem>>, %arg9: memref<128x16x128xf32, #tpu.memory_space<vmem>>, %arg10: memref<128x128xf32, #tpu.memory_space<vmem>>) attributes {dimension_semantics = [], scalar_prefetch = 0 : i64, scratch_operands = 2 : i64, tpu.core_type = #tpu.core_type<tc>} {
    %get3A = arith.constant 0 : index
    %get3A_0 = arith.constant 0 : index
    %get3A_1 = arith.constant 0 : index
    %get3A_2 = vector.load %arg4[%get3A, %get3A_0, %get3A_1] : memref<1x16x128xf32, #tpu.memory_space<vmem>>, vector<1x16x128xf32>
    %get3A_3 = arith.constant 0 : index
    %get3A_4 = arith.constant 0 : index
    %get3A_5 = arith.constant 0 : index
    %get3A_6 = vector.load %arg5[%get3A_3, %get3A_4, %get3A_5] : memref<1x16x128xf32, #tpu.memory_space<vmem>>, vector<1x16x128xf32>
    %get3A_7 = arith.constant 0 : index
    %get3A_8 = arith.constant 0 : index
    %get3A_9 = arith.constant 0 : index
    %get3A_10 = vector.load %arg6[%get3A_7, %get3A_8, %get3A_9] : memref<1x16x128xf32, #tpu.memory_space<vmem>>, vector<1x16x128xf32>
    %get3A_11 = arith.constant 0 : index
    %get3A_12 = arith.constant 0 : index
    %get3A_13 = arith.constant 0 : index
    %get3A_14 = vector.load %arg7[%get3A_11, %get3A_12, %get3A_13] : memref<1x16x128xf32, #tpu.memory_space<vmem>>, vector<1x16x128xf32>
    %sub3A = arith.subf %get3A_10, %get3A_2 : vector<1x16x128xf32>
    %sub3A_15 = arith.subf %get3A_14, %get3A_6 : vector<1x16x128xf32>
    %mul3A = arith.mulf %sub3A, %sub3A_15 : vector<1x16x128xf32>
    %iota3A = tpu.iota {dimensions = array<i32: 0>} : vector<16x128xi32>
    %iota3A_16 = tpu.iota {dimensions = array<i32: 1>} : vector<1x128xi32>
    %iota3A_17 = tpu.iota {dimensions = array<i32: 0>} : vector<128x128xi32>
    %iota3A_18 = tpu.iota {dimensions = array<i32: 1>} : vector<128x128xi32>
    %eq3A = arith.cmpi eq, %iota3A_17, %iota3A_18 : vector<128x128xi32>
    %gt3A = arith.cmpi sgt, %iota3A_18, %iota3A_17 : vector<128x128xi32>
    %convert_element_type3A = arith.extui %gt3A : vector<128x128xi1> to vector<128x128xi32>
    %convert_element_type3A_19 = arith.sitofp %convert_element_type3A : vector<128x128xi32> to vector<128x128xf32>
    %broadcast_in_dim3A = arith.constant 1.000000e+00 : f32
    %broadcast_in_dim3A_20 = vector.broadcast %broadcast_in_dim3A : f32 to vector<16x128xf32>
    %scan3A = arith.constant 0 : i32
    %scan3A_21 = arith.constant 16 : i32
    %scan3A_22 = arith.addi %scan3A, %scan3A_21 : i32
    %scan3A_23 = arith.constant 1 : i32
    %scan3A_24 = scf.for %scan3A_28 = %scan3A to %scan3A_22 step %scan3A_23 iter_args(%scan3A_29 = %broadcast_in_dim3A_20) -> (vector<16x128xf32>)  : i32 {
      %mul3A_30 = arith.constant 128 : i32
      %mul3A_31 = arith.muli %scan3A_28, %mul3A_30 : i32
      %get3A_32 = arith.index_cast %mul3A_31 : i32 to index
      %get3A_33 = arith.constant 0 : index
      %get3A_34 = arith.constant 0 : index
      %get3A_35 = vector.load %arg0[%get3A_32, %get3A_33, %get3A_34] : memref<2048x1x1xf32, #tpu.memory_space<vmem>>, vector<128x1x1xf32>
      %get3A_36 = arith.index_cast %mul3A_31 : i32 to index
      %get3A_37 = arith.constant 0 : index
      %get3A_38 = arith.constant 0 : index
      %get3A_39 = vector.load %arg1[%get3A_36, %get3A_37, %get3A_38] : memref<2048x1x1xf32, #tpu.memory_space<vmem>>, vector<128x1x1xf32>
      %get3A_40 = arith.index_cast %mul3A_31 : i32 to index
      %get3A_41 = arith.constant 0 : index
      %get3A_42 = arith.constant 0 : index
      %get3A_43 = vector.load %arg2[%get3A_40, %get3A_41, %get3A_42] : memref<2048x1x1xf32, #tpu.memory_space<vmem>>, vector<128x1x1xf32>
      %get3A_44 = arith.index_cast %mul3A_31 : i32 to index
      %get3A_45 = arith.constant 0 : index
      %get3A_46 = arith.constant 0 : index
      %get3A_47 = vector.load %arg3[%get3A_44, %get3A_45, %get3A_46] : memref<2048x1x1xf32, #tpu.memory_space<vmem>>, vector<128x1x1xf32>
      %sub3A_48 = arith.subf %get3A_43, %get3A_35 : vector<128x1x1xf32>
      %sub3A_49 = arith.subf %get3A_47, %get3A_39 : vector<128x1x1xf32>
      %mul3A_50 = arith.mulf %sub3A_48, %sub3A_49 : vector<128x1x1xf32>
      %max3A = vector.broadcast %get3A_35 : vector<128x1x1xf32> to vector<128x16x128xf32>
      %max3A_51 = vector.broadcast %get3A_2 : vector<1x16x128xf32> to vector<128x16x128xf32>
      %max3A_52 = arith.maximumf %max3A, %max3A_51 : vector<128x16x128xf32>
      %max3A_53 = vector.broadcast %get3A_39 : vector<128x1x1xf32> to vector<128x16x128xf32>
      %max3A_54 = vector.broadcast %get3A_6 : vector<1x16x128xf32> to vector<128x16x128xf32>
      %max3A_55 = arith.maximumf %max3A_53, %max3A_54 : vector<128x16x128xf32>
      %min3A = vector.broadcast %get3A_43 : vector<128x1x1xf32> to vector<128x16x128xf32>
      %min3A_56 = vector.broadcast %get3A_10 : vector<1x16x128xf32> to vector<128x16x128xf32>
      %min3A_57 = arith.minimumf %min3A, %min3A_56 : vector<128x16x128xf32>
      %min3A_58 = vector.broadcast %get3A_47 : vector<128x1x1xf32> to vector<128x16x128xf32>
      %min3A_59 = vector.broadcast %get3A_14 : vector<1x16x128xf32> to vector<128x16x128xf32>
      %min3A_60 = arith.minimumf %min3A_58, %min3A_59 : vector<128x16x128xf32>
      %sub3A_61 = arith.subf %min3A_57, %max3A_52 : vector<128x16x128xf32>
      %jit3A = arith.constant 0.000000e+00 : f32
      %max3A_62 = vector.broadcast %jit3A : f32 to vector<128x16x128xf32>
      %max3A_63 = arith.maximumf %max3A_62, %sub3A_61 : vector<128x16x128xf32>
      %sub3A_64 = arith.subf %min3A_60, %max3A_55 : vector<128x16x128xf32>
      %jit3A_65 = arith.constant 0.000000e+00 : f32
      %max3A_66 = vector.broadcast %jit3A_65 : f32 to vector<128x16x128xf32>
      %max3A_67 = arith.maximumf %max3A_66, %sub3A_64 : vector<128x16x128xf32>
      %mul3A_68 = arith.mulf %max3A_63, %max3A_67 : vector<128x16x128xf32>
      %add3A = vector.broadcast %mul3A_50 : vector<128x1x1xf32> to vector<128x16x128xf32>
      %add3A_69 = vector.broadcast %mul3A : vector<1x16x128xf32> to vector<128x16x128xf32>
      %add3A_70 = arith.addf %add3A, %add3A_69 : vector<128x16x128xf32>
      %sub3A_71 = arith.subf %add3A_70, %mul3A_68 : vector<128x16x128xf32>
      %add3A_72 = arith.constant 9.99999971E-10 : f32
      %add3A_73 = vector.broadcast %add3A_72 : f32 to vector<128x16x128xf32>
      %add3A_74 = arith.addf %sub3A_71, %add3A_73 : vector<128x16x128xf32>
      %div3A = arith.divf %mul3A_68, %add3A_74 : vector<128x16x128xf32>
      %gt3A_75 = arith.constant 0.699999988 : f32
      %gt3A_76 = vector.broadcast %gt3A_75 : f32 to vector<128x16x128xf32>
      %gt3A_77 = arith.cmpf ogt, %div3A, %gt3A_76 : vector<128x16x128xf32>
      %jit3A_78 = arith.constant 1.000000e+00 : f32
      %jit3A_79 = arith.constant 0.000000e+00 : f32
      %broadcast_in_dim3A_80 = vector.broadcast %jit3A_78 : f32 to vector<128x16x128xf32>
      %broadcast_in_dim3A_81 = vector.broadcast %jit3A_79 : f32 to vector<128x16x128xf32>
      %select_n3A = arith.select %gt3A_77, %broadcast_in_dim3A_80, %broadcast_in_dim3A_81 : vector<128x16x128xi1>, vector<128x16x128xf32>
      %swap3A_82 = arith.constant 0 : index
      %swap3A_83 = arith.constant 0 : index
      %swap3A_84 = arith.constant 0 : index
      %swap3A_85 = vector.load %arg9[%swap3A_82, %swap3A_83, %swap3A_84] : memref<128x16x128xf32, #tpu.memory_space<vmem>>, vector<128x16x128xf32>
      tpu.vector_store %arg9[%swap3A_82, %swap3A_83, %swap3A_84], %select_n3A {strides = array<i32>} : memref<128x16x128xf32, #tpu.memory_space<vmem>>, vector<128x16x128xf32>,
      %get3A_86 = arith.constant 0 : index
      %get3A_87 = arith.index_cast %scan3A_28 : i32 to index
      %get3A_88 = arith.constant 0 : index
      %get3A_89 = vector.load %arg9[%get3A_86, %get3A_87, %get3A_88] : memref<128x16x128xf32, #tpu.memory_space<vmem>>, vector<128x1x128xf32>
      %reshape3A = vector.shape_cast %get3A_89 : vector<128x1x128xf32> to vector<128x128xf32>
      %mul3A_90 = arith.mulf %reshape3A, %convert_element_type3A_19 : vector<128x128xf32>
      %swap3A_91 = arith.constant 0 : index
      %swap3A_92 = arith.constant 0 : index
      %swap3A_93 = vector.load %arg10[%swap3A_91, %swap3A_92] : memref<128x128xf32, #tpu.memory_space<vmem>>, vector<128x128xf32>
      tpu.vector_store %arg10[%swap3A_91, %swap3A_92], %mul3A_90 {strides = array<i32>} : memref<128x128xf32, #tpu.memory_space<vmem>>, vector<128x128xf32>,
      %eq3A_94 = vector.broadcast %scan3A_28 : i32 to vector<16x128xi32>
      %eq3A_95 = arith.cmpi eq, %iota3A, %eq3A_94 : vector<16x128xi32>
      %jit3A_96 = arith.constant 0.000000e+00 : f32
      %broadcast_in_dim3A_97 = vector.broadcast %jit3A_96 : f32 to vector<16x128xf32>
      %select_n3A_98 = arith.select %eq3A_95, %scan3A_29, %broadcast_in_dim3A_97 : vector<16x128xi1>, vector<16x128xf32>
      %reduce_max3A = arith.constant dense<0xFF800000> : vector<128xf32>
      %reduce_max3A_99 = vector.multi_reduction <maximumf>, %select_n3A_98, %reduce_max3A [0] : vector<16x128xf32> to vector<128xf32>
      %broadcast_in_dim3A_100 = vector.shape_cast %reduce_max3A_99 : vector<128xf32> to vector<1x128xf32>
      %scan3A_101 = arith.constant 0 : i32
      %scan3A_102 = arith.constant 128 : i32
      %scan3A_103 = arith.addi %scan3A_101, %scan3A_102 : i32
      %scan3A_104 = arith.constant 4 : i32
      %scan3A_105 = scf.for %scan3A_138 = %scan3A_101 to %scan3A_103 step %scan3A_104 iter_args(%scan3A_139 = %broadcast_in_dim3A_100) -> (vector<1x128xf32>)  : i32 {
        %eq3A_140 = vector.broadcast %scan3A_138 : i32 to vector<1x128xi32>
        %eq3A_141 = arith.cmpi eq, %iota3A_16, %eq3A_140 : vector<1x128xi32>
        %jit3A_142 = arith.constant 0.000000e+00 : f32
        %broadcast_in_dim3A_143 = vector.broadcast %jit3A_142 : f32 to vector<1x128xf32>
        %select_n3A_144 = arith.select %eq3A_141, %scan3A_139, %broadcast_in_dim3A_143 : vector<1x128xi1>, vector<1x128xf32>
        %reduce_max3A_145 = arith.constant dense<0xFF800000> : vector<1xf32>
        %reduce_max3A_146 = vector.multi_reduction <maximumf>, %select_n3A_144, %reduce_max3A_145 [1] : vector<1x128xf32> to vector<1xf32>
        %broadcast_in_dim3A_147 = vector.shape_cast %reduce_max3A_146 : vector<1xf32> to vector<1x1xf32>
        %get3A_148 = arith.index_cast %scan3A_138 : i32 to index
        %get3A_149 = arith.constant 0 : index
        %get3A_150 = vector.load %arg10[%get3A_148, %get3A_149] : memref<128x128xf32, #tpu.memory_space<vmem>>, vector<1x128xf32>
        %mul3A_151 = vector.broadcast %broadcast_in_dim3A_147 : vector<1x1xf32> to vector<1x128xf32>
        %mul3A_152 = arith.mulf %mul3A_151, %get3A_150 : vector<1x128xf32>
        %sub3A_153 = arith.constant 1.000000e+00 : f32
        %sub3A_154 = vector.broadcast %sub3A_153 : f32 to vector<1x128xf32>
        %sub3A_155 = arith.subf %sub3A_154, %mul3A_152 : vector<1x128xf32>
        %mul3A_156 = arith.mulf %scan3A_139, %sub3A_155 : vector<1x128xf32>
        %scan3A_157 = arith.constant 1 : i32
        %scan3A_158 = arith.addi %scan3A_138, %scan3A_157 : i32
        %eq3A_159 = vector.broadcast %scan3A_158 : i32 to vector<1x128xi32>
        %eq3A_160 = arith.cmpi eq, %iota3A_16, %eq3A_159 : vector<1x128xi32>
        %jit3A_161 = arith.constant 0.000000e+00 : f32
        %broadcast_in_dim3A_162 = vector.broadcast %jit3A_161 : f32 to vector<1x128xf32>
        %select_n3A_163 = arith.select %eq3A_160, %mul3A_156, %broadcast_in_dim3A_162 : vector<1x128xi1>, vector<1x128xf32>
        %reduce_max3A_164 = arith.constant dense<0xFF800000> : vector<1xf32>
        %reduce_max3A_165 = vector.multi_reduction <maximumf>, %select_n3A_163, %reduce_max3A_164 [1] : vector<1x128xf32> to vector<1xf32>
        %broadcast_in_dim3A_166 = vector.shape_cast %reduce_max3A_165 : vector<1xf32> to vector<1x1xf32>
        %get3A_167 = arith.index_cast %scan3A_158 : i32 to index
        %get3A_168 = arith.constant 0 : index
        %get3A_169 = vector.load %arg10[%get3A_167, %get3A_168] : memref<128x128xf32, #tpu.memory_space<vmem>>, vector<1x128xf32>
        %mul3A_170 = vector.broadcast %broadcast_in_dim3A_166 : vector<1x1xf32> to vector<1x128xf32>
        %mul3A_171 = arith.mulf %mul3A_170, %get3A_169 : vector<1x128xf32>
        %sub3A_172 = arith.constant 1.000000e+00 : f32
        %sub3A_173 = vector.broadcast %sub3A_172 : f32 to vector<1x128xf32>
        %sub3A_174 = arith.subf %sub3A_173, %mul3A_171 : vector<1x128xf32>
        %mul3A_175 = arith.mulf %mul3A_156, %sub3A_174 : vector<1x128xf32>
        %scan3A_176 = arith.constant 2 : i32
        %scan3A_177 = arith.addi %scan3A_138, %scan3A_176 : i32
        %eq3A_178 = vector.broadcast %scan3A_177 : i32 to vector<1x128xi32>
        %eq3A_179 = arith.cmpi eq, %iota3A_16, %eq3A_178 : vector<1x128xi32>
        %jit3A_180 = arith.constant 0.000000e+00 : f32
        %broadcast_in_dim3A_181 = vector.broadcast %jit3A_180 : f32 to vector<1x128xf32>
        %select_n3A_182 = arith.select %eq3A_179, %mul3A_175, %broadcast_in_dim3A_181 : vector<1x128xi1>, vector<1x128xf32>
        %reduce_max3A_183 = arith.constant dense<0xFF800000> : vector<1xf32>
        %reduce_max3A_184 = vector.multi_reduction <maximumf>, %select_n3A_182, %reduce_max3A_183 [1] : vector<1x128xf32> to vector<1xf32>
        %broadcast_in_dim3A_185 = vector.shape_cast %reduce_max3A_184 : vector<1xf32> to vector<1x1xf32>
        %get3A_186 = arith.index_cast %scan3A_177 : i32 to index
        %get3A_187 = arith.constant 0 : index
        %get3A_188 = vector.load %arg10[%get3A_186, %get3A_187] : memref<128x128xf32, #tpu.memory_space<vmem>>, vector<1x128xf32>
        %mul3A_189 = vector.broadcast %broadcast_in_dim3A_185 : vector<1x1xf32> to vector<1x128xf32>
        %mul3A_190 = arith.mulf %mul3A_189, %get3A_188 : vector<1x128xf32>
        %sub3A_191 = arith.constant 1.000000e+00 : f32
        %sub3A_192 = vector.broadcast %sub3A_191 : f32 to vector<1x128xf32>
        %sub3A_193 = arith.subf %sub3A_192, %mul3A_190 : vector<1x128xf32>
        %mul3A_194 = arith.mulf %mul3A_175, %sub3A_193 : vector<1x128xf32>
        %scan3A_195 = arith.constant 3 : i32
        %scan3A_196 = arith.addi %scan3A_138, %scan3A_195 : i32
        %eq3A_197 = vector.broadcast %scan3A_196 : i32 to vector<1x128xi32>
        %eq3A_198 = arith.cmpi eq, %iota3A_16, %eq3A_197 : vector<1x128xi32>
        %jit3A_199 = arith.constant 0.000000e+00 : f32
        %broadcast_in_dim3A_200 = vector.broadcast %jit3A_199 : f32 to vector<1x128xf32>
        %select_n3A_201 = arith.select %eq3A_198, %mul3A_194, %broadcast_in_dim3A_200 : vector<1x128xi1>, vector<1x128xf32>
        %reduce_max3A_202 = arith.constant dense<0xFF800000> : vector<1xf32>
        %reduce_max3A_203 = vector.multi_reduction <maximumf>, %select_n3A_201, %reduce_max3A_202 [1] : vector<1x128xf32> to vector<1xf32>
        %broadcast_in_dim3A_204 = vector.shape_cast %reduce_max3A_203 : vector<1xf32> to vector<1x1xf32>
        %get3A_205 = arith.index_cast %scan3A_196 : i32 to index
        %get3A_206 = arith.constant 0 : index
        %get3A_207 = vector.load %arg10[%get3A_205, %get3A_206] : memref<128x128xf32, #tpu.memory_space<vmem>>, vector<1x128xf32>
        %mul3A_208 = vector.broadcast %broadcast_in_dim3A_204 : vector<1x1xf32> to vector<1x128xf32>
        %mul3A_209 = arith.mulf %mul3A_208, %get3A_207 : vector<1x128xf32>
        %sub3A_210 = arith.constant 1.000000e+00 : f32
        %sub3A_211 = vector.broadcast %sub3A_210 : f32 to vector<1x128xf32>
        %sub3A_212 = arith.subf %sub3A_211, %mul3A_209 : vector<1x128xf32>
        %mul3A_213 = arith.mulf %mul3A_194, %sub3A_212 : vector<1x128xf32>
        scf.yield %mul3A_213 : vector<1x128xf32>
      }
      %scan3A_106 = arith.constant 128 : i32
      %jit3A_107 = arith.constant 0.000000e+00 : f32
      %broadcast_in_dim3A_108 = vector.shape_cast %scan3A_105 : vector<1x128xf32> to vector<1x128xf32>
      %broadcast_in_dim3A_109 = vector.broadcast %broadcast_in_dim3A_108 : vector<1x128xf32> to vector<128x128xf32>
      %broadcast_in_dim3A_110 = vector.broadcast %jit3A_107 : f32 to vector<128x128xf32>
      %select_n3A_111 = arith.select %eq3A, %broadcast_in_dim3A_109, %broadcast_in_dim3A_110 : vector<128x128xi1>, vector<128x128xf32>
      %reduce_max3A_112 = arith.constant dense<0xFF800000> : vector<128xf32>
      %reduce_max3A_113 = vector.multi_reduction <maximumf>, %select_n3A_111, %reduce_max3A_112 [1] : vector<128x128xf32> to vector<128xf32>
      %broadcast_in_dim3A_114 = vector.shape_cast %reduce_max3A_113 : vector<128xf32> to vector<128x1xf32>
      %get3A_115 = arith.constant 0 : index
      %get3A_116 = arith.constant 0 : index
      %get3A_117 = arith.constant 0 : index
      %get3A_118 = vector.load %arg9[%get3A_115, %get3A_116, %get3A_117] : memref<128x16x128xf32, #tpu.memory_space<vmem>>, vector<128x16x128xf32>
      %reshape3A_119 = vector.shape_cast %broadcast_in_dim3A_114 : vector<128x1xf32> to vector<128x1x1xf32>
      %mul3A_120 = vector.broadcast %reshape3A_119 : vector<128x1x1xf32> to vector<128x16x128xf32>
      %mul3A_121 = arith.mulf %get3A_118, %mul3A_120 : vector<128x16x128xf32>
      %reduce_max3A_122 = arith.constant dense<0xFF800000> : vector<16x128xf32>
      %reduce_max3A_123 = vector.multi_reduction <maximumf>, %mul3A_121, %reduce_max3A_122 [0] : vector<128x16x128xf32> to vector<16x128xf32>
      %gt3A_124 = vector.broadcast %scan3A_28 : i32 to vector<16x128xi32>
      %gt3A_125 = arith.cmpi sgt, %iota3A, %gt3A_124 : vector<16x128xi32>
      %convert_element_type3A_126 = arith.extui %gt3A_125 : vector<16x128xi1> to vector<16x128xi32>
      %convert_element_type3A_127 = arith.sitofp %convert_element_type3A_126 : vector<16x128xi32> to vector<16x128xf32>
      %mul3A_128 = arith.mulf %reduce_max3A_123, %convert_element_type3A_127 : vector<16x128xf32>
      %sub3A_129 = arith.constant 1.000000e+00 : f32
      %sub3A_130 = vector.broadcast %sub3A_129 : f32 to vector<16x128xf32>
      %sub3A_131 = arith.subf %sub3A_130, %mul3A_128 : vector<16x128xf32>
      %mul3A_132 = arith.mulf %scan3A_29, %sub3A_131 : vector<16x128xf32>
      %eq3A_133 = vector.broadcast %scan3A_28 : i32 to vector<16x128xi32>
      %eq3A_134 = arith.cmpi eq, %iota3A, %eq3A_133 : vector<16x128xi32>
      %broadcast_in_dim3A_135 = vector.shape_cast %scan3A_105 : vector<1x128xf32> to vector<1x128xf32>
      %broadcast_in_dim3A_136 = vector.broadcast %broadcast_in_dim3A_135 : vector<1x128xf32> to vector<16x128xf32>
      %select_n3A_137 = arith.select %eq3A_134, %broadcast_in_dim3A_136, %mul3A_132 : vector<16x128xi1>, vector<16x128xf32>
      scf.yield %select_n3A_137 : vector<16x128xf32>
    }
    %scan3A_25 = arith.constant 16 : i32
    %swap3A = arith.constant 0 : index
    %swap3A_26 = arith.constant 0 : index
    %swap3A_27 = vector.load %arg8[%swap3A, %swap3A_26] : memref<16x128xf32, #tpu.memory_space<vmem>>, vector<16x128xf32>
    tpu.vector_store %arg8[%swap3A, %swap3A_26], %scan3A_24 {strides = array<i32>} : memref<16x128xf32, #tpu.memory_space<vmem>>, vector<16x128xf32>,
    return
  }
}

</mosaic_0001>

<sc_bundles>
// kernel: gather_offload_async_start.1
scs
__scs_entry_jumppad:
0x0: {  	(pc) =	sbr.rel $0x88, $3  }
0x1: {  	(tag) =	ssettag $0x0;
	lr =	simm.s32 $0x1  }
0x2: {  	[smem:$0x3F9F] =	sst lr;
	_ =	strace $0xD0000000  }
0x3: {  	_ = 	snop  }
0x4: {  	_ = 	snop  }
0x5: {  	_ = 	snop  }
0x6: {  	_ = 	snop  }
0x7: {  	_ = 	snop  }
__scs_overlays_trampoline_lowered:
0x8: {  	[smem:$0x3FAE] =	sst s0  }
0x9: {  	[smem:$0x3FAF] =	sst s1  }
0xa: {  	[smem:$0x3FB0] =	sst s2  }
0xb: {  	[smem:$0x3FB1] =	sst s3  }
0xc: {  	[smem:$0x3FB2] =	sst s4  }
0xd: {  	[smem:$0x3FB3] =	sst s5  }
0xe: {  	[smem:$0x3FB4] =	sst s6  }
0xf: {  	[smem:$0x3FB5] =	sst s7  }
0x10: {  	[smem:$0x3FB6] =	sst s8  }
0x11: {  	[smem:$0x3FB7] =	sst s9;
	s0 =	simm.s32 @!p0 $0x0  }
0x12: {  	s1 =	sld [smem:$0x3F9D];
	s0 =	simm.s32 @p0 $0x1  }
0x13: {  	[smem:$0x3FB8] =	sst s0;
	s0 =	simm.s32 @!p1 $0x0  }
0x14: {  	s2 =	sld [smem:$0x3F9C];
	s0 =	simm.s32 @p1 $0x1  }
0x15: {  	[smem:$0x3FB9] =	sst s0;
	s0 =	simm.s32 @!p2 $0x0  }
0x16: {  	s3 =	sld [smem:$0x3FDB];
	s0 =	simm.s32 @p2 $0x1  }
0x17: {  	s4 =	simm.s32 $0x1BF5;
	[smem:$0x3FBB] =	sst s0  }
0x18: {  	s0 =	sld [smem:$0x3F9E];
	_ =	swait.ge [sflag:s4], $0x0  }
0x19: {  	s7 =	sld [smem:$0x3F9F]  }
0x1a: {  	s8 =	sadd.s32 $0xFFFFE003, lr  }
0x1b: {  	s9 =	sadd.s32 $0xFFFFFEF7, lr;
	s5 =	simm.s32 $0xFFFFFFFF;
	p2 =	slt.u32 s8, $0xFFFFF086  }
0x1c: {  	p1 =	slt.u32 s9, $0xF7A;
	s5 =	simm.s32 @!p2 $0x0  }
0x1d: {  	s5 =	simm.s32 @p1 $0x1;
	p0 =	seq.s32 s7, s2  }
0x1e: {  	s7 =	smul.u32 @!p0 $0xF7A, s2;
	p2 =	seq.s32 @!p0 s5, $0x0  }
0x1f: {  	s9 =	smul.u32 $0xF7A, s1;
	s8 =	simm.s32 @!p0 $0x1BF5;
	p2 =	por !p2, p0  }
0x20: {  	[sflag:s8] =	ssyncset.s32 @!p0 $0xFFFFF086;
	s6 =	sadd.s32 @!p0 s3, s7;
	s7 =	simm.s32 @!p0 $0x108  }
0x21: {  	s3 =	sadd.s32 s3, s9;
	s6 =	sadd.s32 @!p0 $0x88, s6;
	s7 =	simm.s32 @p2 $0x1082  }
0x22: {  	[simem:s7], [sflag:s8] =	dma.local @!p0 [hbm:s6], $0xF7A  }
0x23: {  	s9 =	sor.u32 $0xD0000000, s2;
	s6 =	simm.s32 $0x108;
	_ =	swait.ge @!p0 [sflag:s8], $0x0  }
0x24: {  	s3 =	sadd.s32 $0x88, s3;
	s6 =	simm.s32 @!p1 $0x1082;
	[sflag:s4] =	ssyncset.s32 $0xFFFFF086  }
0x25: {  	[simem:s6], [sflag:s4] =	dma.local [hbm:s3], $0xF7A  }
0x26: {  	[smem:$0x3F9F] =	sst s1;
	(tag) =	ssettag s2;
	_ =	strace s9  }
0x27: {  	s1 =	sld [smem:$0x3FAF]  }
0x28: {  	s2 =	sld [smem:$0x3FB0]  }
0x29: {  	s4 =	sld [smem:$0x3FB2]  }
0x2a: {  	p0 =	seq.s32 s5, $0x0;
	s5 =	sld [smem:$0x3FB3]  }
0x2b: {  	s6 =	sld [smem:$0x3FB4]  }
0x2c: {  	s7 =	sld [smem:$0x3FB5]  }
0x2d: {  	s3 =	simm.s32 $0x108;
	s8 =	sld [smem:$0x3FB6]  }
0x2e: {  	s3 =	simm.s32 @!p0 $0x1082;
	s9 =	sld [smem:$0x3FB7]  }
0x2f: {  	lr =	sadd.s32 s0, s3;
	s0 =	sld [smem:$0x3FAE]  }
0x30: {  	s3 =	sld [smem:$0x3FB1]  }
0x31: {  	[smem:$0x3FBA] =	sst s10  }
0x32: {  	s10 =	sld [smem:$0x3FB8];
	_ =	sdelay $0x3  }
0x33: {  	p0 =	seq.s32 s10, $0x1;
	s10 =	sld [smem:$0x3FBA];
	_ =	sdelay $0x3  }
0x34: {  	[smem:$0x3FBA] =	sst s10  }
0x35: {  	s10 =	sld [smem:$0x3FB9];
	_ =	sdelay $0x3  }
0x36: {  	p1 =	seq.s32 s10, $0x1;
	s10 =	sld [smem:$0x3FBA];
	_ =	sdelay $0x3  }
0x37: {  	[smem:$0x3FBA] =	sst s10  }
0x38: {  	s10 =	sld [smem:$0x3FBB]  }
0x39: {  	_ = 	snop;
	(pc) =	sbr.ind lr, $3  }
0x3a: {  	_ = 	snop  }
0x3b: {  	_ = 	snop  }
0x3c: {  	p2 =	seq.s32 s10, $0x1;
	s10 =	sld [smem:$0x3FBA]  }
0x3d: {  	_ =	shalt  }
0x3e: {  	_ =	shalt  }
0x3f: {  	_ =	shalt  }
0x40: {  	_ =	shalt  }
0x41: {  	_ =	shalt  }
0x42: {  	_ =	shalt  }
0x43: {  	_ =	shalt  }
0x44: {  	_ =	shalt  }
0x45: {  	_ =	shalt  }
0x46: {  	_ =	shalt  }
0x47: {  	_ =	shalt  }
0x48: {  	_ =	shalt  }
0x49: {  	_ =	shalt  }
0x4a: {  	_ =	shalt  }
0x4b: {  	_ =	shalt  }
0x4c: {  	_ =	shalt  }
0x4d: {  	_ =	shalt  }
0x4e: {  	_ =	shalt  }
0x4f: {  	_ =	shalt  }
0x50: {  	_ =	shalt  }
0x51: {  	_ =	shalt  }
0x52: {  	_ =	shalt  }
0x53: {  	_ =	shalt  }
0x54: {  	_ =	shalt  }
0x55: {  	_ =	shalt  }
0x56: {  	_ =	shalt  }
0x57: {  	_ =	shalt  }
0x58: {  	_ =	shalt  }
0x59: {  	_ =	shalt  }
0x5a: {  	_ =	shalt  }
0x5b: {  	_ =	shalt  }
0x5c: {  	_ =	shalt  }
0x5d: {  	_ =	shalt  }
0x5e: {  	_ =	shalt  }
0x5f: {  	_ =	shalt  }
0x60: {  	_ =	shalt  }
0x61: {  	_ =	shalt  }
0x62: {  	_ =	shalt  }
0x63: {  	_ =	shalt  }
0x64: {  	_ =	shalt  }
0x65: {  	_ =	shalt  }
0x66: {  	_ =	shalt  }
0x67: {  	_ =	shalt  }
0x68: {  	_ =	shalt  }
0x69: {  	_ =	shalt  }
0x6a: {  	_ =	shalt  }
0x6b: {  	_ =	shalt  }
0x6c: {  	_ =	shalt  }
0x6d: {  	_ =	shalt  }
0x6e: {  	_ =	shalt  }
0x6f: {  	_ =	shalt  }
0x70: {  	_ =	shalt  }
0x71: {  	_ =	shalt  }
0x72: {  	_ =	shalt  }
0x73: {  	_ =	shalt  }
0x74: {  	_ =	shalt  }
0x75: {  	_ =	shalt  }
0x76: {  	_ =	shalt  }
0x77: {  	_ =	shalt  }
0x78: {  	_ =	shalt  }
0x79: {  	_ =	shalt  }
0x7a: {  	_ =	shalt  }
0x7b: {  	_ =	shalt  }
0x7c: {  	_ =	shalt  }
0x7d: {  	_ =	shalt  }
0x7e: {  	_ =	shalt  }
0x7f: {  	_ =	shalt  }
0x80: {  	_ =	shalt  }
0x81: {  	_ =	shalt  }
0x82: {  	_ =	shalt  }
0x83: {  	_ =	shalt  }
0x84: {  	_ =	shalt  }
0x85: {  	_ =	shalt  }
0x86: {  	_ =	shalt  }
0x87: {  	_ =	shalt  }
.Lfunc_end0:
.L_simem_size_0:
called_computation.1_lowered:
.L_overlay_start_0:
0x88: {  	s0 =	sld [smem:$0x3FD9]  }
0x89: {  	s1 =	sld [smem:$0x3FFE];
	_ =	sdelay $0x3  }
0x8a: {  	s0 =	sadd.s32 s1, s0  }
0x8b: {  	[smem:$0x3FC6] =	sst s0  }
0x8c: {  	_ = 	snop  }
0x8d: {  	s0 =	sld [smem:$0x3FD0];
	(tm) =	ssettm $0x1  }
0x8e: {  	s16 =	sld [smem:$0x3FFB];
	_ =	sdelay $0x3  }
0x8f: {  	_ =	strace s16  }
0x90: {  	s1 =	sld [smem:$0x3FFC];
	_ =	sdelay $0x3  }
0x91: {  	_ =	strace s1  }
0x92: {  	s1 =	sld [smem:$0x3FFD];
	_ =	sdelay $0x3  }
0x93: {  	_ =	strace s1  }
0x94: {  	_ =	strace $0x8FFFFFFF  }
0x95: {  	s17 =	sld [smem:$0x3FDB];
	_ =	sdelay $0x1  }
0x96: {  	s2 =	simm.s32 $_scs_section_size  }
0x97: {  	s3 =	simm.s32 $_size__tile_overlayer_lowered;
	s4 =	simm.s32 $_tile_overlayer_lowered  }
0x98: {  	s20 =	simm.s32 $0x1BFF;
	s19 =	sshll.u32 s4, $0x1;
	s1 =	sadd.s32 s2, s17  }
0x99: {  	s5 =	simm.s32 $0x0;
	s18 =	sshll.u32 s3, $0x1;
	s3 =	sadd.s32 s19, s1  }
0x9a: {  	[timem:s5], [sflag:s20] =	dma.local [hbm:s3], s18  }
0x9b: {  	_ =	swait.ge [sflag:s20], s18  }
0x9c: {  	s2 =	ssub.s32 $0x0, s18;
	[sflag:s20] =	ssyncset.done $0x0  }
0x9d: {  	[sflag:s20] =	ssyncadd.s32 s2;
	_ =	sdelay $0x1  }
0x9e: {  	s21 =	simm.s32 $0x1B8B  }
0x9f: {  	_ =	swait.ge [sflag:s21], $0x1  }
0xa0: {  	[sflag:s21] =	ssyncset.done $0x0  }
0xa1: {  	s23 =	simm.s32 $0x1B8E;
	s22 =	sld [smem:$0x3FFE];
	[sflag:s21] =	ssyncadd.s32 $0xFFFFFFFF  }
0xa2: {  	s24 =	simm.s32 $execute0_lowered;
	[smem:$0x3FD2] =	sst s23  }
0xa3: {  	s3 =	sshll.u32 s24, $0x1;
	_ =	strace $0x8000004C;
	[dreg:$0x1] =	wrdreg $0xFFFFFFFF  }
0xa4: {  	s25 =	simm.s32 $_size_execute0_lowered;
	s1 =	sadd.s32 s1, s3;
	[dreg:$0x0] =	wrdreg $0x0  }
0xa5: {  	s3 =	sshll.u32 s25, $0x1;
	[dreg:$0x2] =	wrdreg s1  }
0xa6: {  	[dreg:$0x3] =	wrdreg s3  }
0xa7: {  	[dreg:$0x4] =	wrdreg $0xC0  }
0xa8: {  	_ =	task [dreg:s5], $0x5FFFF  }
0xa9: {  	[dreg:$0x1] =	wrdreg $0xFFFFFFFF  }
0xaa: {  	[dreg:$0x0] =	wrdreg $0x60  }
0xab: {  	[dreg:$0x2] =	wrdreg s22  }
0xac: {  	[dreg:$0x3] =	wrdreg s0  }
0xad: {  	[dreg:$0x4] =	wrdreg $0x9  }
0xae: {  	_ =	task.clear_ibuf [dreg:s5], $0x5FFFF;
	_ =	strace $0x9000004C  }
0xaf: {  	s26 =	simm.s32 $0x9;
	_ =	strace $0x8000004E  }
0xb0: {  	_ =	swait.ge [sflag:s26], $0x1  }
0xb1: {  	[sflag:s26] =	ssyncadd.s32 $0xFFFFFFFF  }
0xb2: {  	_ =	strace $0x9000004E  }
0xb3: {  	_ =	sfence  }
0xb4: {  	s28 =	sld [smem:$0x0];
	_ =	sdelay $0x1  }
0xb5: {  	s29 =	srdreg.scid  }
0xb6: {  	s30 =	sshll.u32 s29, $0xD;
	s31 =	sshrl.u32 s29, $0x2  }
0xb7: {  	s2 =	sand.u32 $0x4000, s30;
	s1 =	sand.u32 $0x1, s29;
	s0 =	sadd.s32 s31, s28  }
0xb8: {  	s1 =	sor.u32 s2, s1;
	s0 =	sshll.u32 s0, $0x11  }
0xb9: {  	s0 =	sor.u32 s0, s1  }
0xba: {  	s0 =	sadd.s32 $0x8F2B, s0  }
0xbb: {  	[sflag:s0] =	ssyncadd.remote.s32 $0x1  }
0xbc: {  	_ =	sfence.sel $0xFFFF  }
0xbd: {  	[dreg:$0x0] =	wrdreg $0xFFFFFFFF;
	(pc) =	sbr.abs _section_cstart, $3  }
0xbe: {  	[dreg:$0x1] =	wrdreg $0xFFFFFFFF  }
0xbf: {  	_ =	task.clear_ibuf [dreg:s5], $0x2FFFF;
	_ =	strace $0x9FFFFFFF  }
0xc0: {  	(tm) =	ssettm $0x7FFFFFFF  }
0xc1: {  	_ =	shalt  }
tec
execute0_lowered:
.L_overlay_start_1:
0x0: {  	(tag) =	ssettag $0x1  }
0x1: {  	s8 =	rddreg [dreg:$0x0]  }
0x2: {  	s2 =	rddreg [dreg:$0x1]  }
0x3: {  	s0 =	rddreg [dreg:$0x2]  }
0x4: {  	s1 =	stileid.u32;
	_ =	strace $0x8000004D;
	s5 =	simm.s32 $0x1  }
0x5: {  	s6 =	simm.s32 $0x500;
	s9 =	simm.s32 $0x1;
	s10 =	simm.s32 $0x3  }
0x6: {  	s13 =	simm.s32 $0x0;
	s12 =	simm.s32 $0x0;
	s4 =	smul.u32 $0x50, s1  }
0x7: {  	s3 =	sadd.s32 $0xA00, s8;
	p0 =	slt.u32 s1, $0xA;
	[sflag:s5] =	ssyncpa.u1 $0x0  }
.Ltmp0:
0x8: {  	s6 =	simm.s32 @!p0 $0x0;
	s7 =	ssub.s32 $0x7D0, s4;
	(pc) =	sbr.rel .LBB2_1-.Ltmp0, $4  }
0x9: {  	s9 =	simm.s32 @!p0 $0x0;
	p0 =	sne.s32 s7, s6;
	s7 =	simm.s32 $0x1  }
0xa: {  	s8 =	sadd.s32 $0x2C00, s8;
	s6 =	simm.s32 $0x2;
	s7 =	simm.s32 @!p0 $0x0  }
0xb: {  	s11 =	smov.u32 s4;
	[sflag:s6] =	ssyncpa.u1 $0x0;
	s7 =	sadd.s32 s9, s7  }
0xc: {  	vm0 =	vmmov $0xffff;
	[sflag:s10] =	ssyncpa.u1 $0x0;
	s10 =	simm.s32 $0x0;
	s9 =	sadd.s32 $0x1, s7  }
.LBB2_4:
0xd: {  	v2 =	vnsel vm1, $0x0, v2  }
0xe: {  	vm1 =	vgt.s32 v0, $0x0;
	v2 =	vmin.u32 v2, $0x4E1F  }
0xf: {  	v0 =	vnsel vm1, $0x0, v0  }
0x10: {  	v0 =	vmin.u32 v0, $0x4E1F  }
0x11: {  	[tilespmem:s18], [sflag:$0x1] =	stream.indirect_vreg.gather [hbm4b:s3+s10], $0x1, v1, vm0, $0x4038;
	[tilespmem:$0x140] =	vst v63  }
0x12: {  	(ifvalue) =	ssetifvalue $0x7FFFFFFF  }
0x13: {  	[tilespmem:s15], [sflag:$0x1] =	stream.indirect_vreg.gather [hbm4b:s3+s10], $0x1, v2, vm0, $0x4038;
	[tilespmem:$0x140] =	vst v63  }
0x14: {  	s29 =	sadd.s32 $0x10, s15;
	(ifvalue) =	ssetifvalue $0x7FFFFFFF  }
0x15: {  	[tilespmem:s29], [sflag:$0x1] =	stream.indirect_vreg.gather [hbm4b:s3+s10], $0x1, v0, vm0, $0x4038;
	[tilespmem:$0x140] =	vst v63  }
0x16: {  	_ =	swait.ge [sflag:s5], $0x50  }
0x17: {  	s30 =	sshrl.u32 s13, $0x3;
	[sflag:s5] =	ssyncset.done $0x0  }
0x18: {  	s31 =	sand.u32 $0x7, s13;
	s15 =	sadd.s32 s8, s30;
	[sflag:s5] =	ssyncadd.s32 $0xFFFFFFB0  }
0x19: {  	[hbm4b:s15+s31] =	stream.linear.scatter [tilespmem:s14], [sflag:$0x3], $0x50, $0x38;
	[tilespmem:$0x140] =	vst v63  }
.LBB2_5:
0x1a: {  	s15 =	sadd.s32 $0x500, s11  }
0x1b: {  	p1 =	sgt.s32 s15, $0x7CF  }
0x1c: {  	s15 =	smov.u32 @p1 s4;
	p1 =	sne.s32 s12, s9  }
.Ltmp1:
0x1d: {  	p0 =	slt.u32 s12, $0x2;
	(pc) =	sbr.rel @!p1 .LBB2_6-.Ltmp1, $4  }
0x1e: {  	s14 =	simm.s32 @!p0 $0x3  }
0x1f: {  	_ =	swait.ge @!p0 [sflag:s14], $0x50  }
0x20: {  	s16 =	sadd.s32 $0x1, s12;
	s13 =	smov.u32 s11;
	[sflag:s14] =	ssyncset.done @!p0 $0x0  }
0x21: {  	s12 =	smov.u32 s16;
	s11 =	smov.u32 s15;
	[sflag:s14] =	ssyncadd.s32 @!p0 $0xFFFFFFB0  }
.LBB2_1:
0x22: {  	p0 =	sge.u32 s12, s7  }
0x23: {  	s14 =	sxor.u32 @!p0 $0x1, s12  }
0x24: {  	s14 =	smul.u32 @!p0 $0x140, s14  }
0x25: {  	s31 =	sadd.s32 $0xFFFFFFFF, s12;
	s15 =	sshrl.u32 @!p0 s11, $0x3  }
0x26: {  	s16 =	sand.u32 @!p0 $0x7, s11;
	s15 =	sadd.s32 @!p0 s2, s15;
	s14 =	sshra.s32 @!p0 s14, $0x2  }
0x27: {  	[tilespmem:s14], [sflag:$0x2] =	stream.linear.gather @!p0 [hbm4b:s15+s16], $0x50, $0x38;
	[tilespmem:$0x140] =	vst v63  }
0x28: {  	p0 =	sge.u32 s31, s7  }
.Ltmp2:
0x29: {  	_ = 	snop;
	(pc) =	sbr.rel @p0 .LBB2_5-.Ltmp2, $1  }
0x2a: {  	_ =	sdelay $0x3  }
0x2b: {  	s14 =	sand.u32 $0x1, s12  }
0x2c: {  	_ =	swait.ge [sflag:s6], $0x50;
	p0 =	seq.s32 s14, $0x1;
	s14 =	simm.s32 $0x50  }
0x2d: {  	[sflag:s6] =	ssyncset.done $0x0;
	s14 =	simm.s32 @!p0 $0x0  }
0x2e: {  	[sflag:s6] =	ssyncadd.s32 $0xFFFFFFB0;
	(ifvalue) =	ssetifvalue $0x7FFFFFFF;
	v0 =	vld.msk [tilespmem:s14+$0x0 ss:$0x1], $0xffff;
	_ =	sdelay $0x4  }
0x2f: {  	s15 =	sadd.s32 $0x10, s14;
	vm1 =	vgt.s32 v0, $0x0  }
0x30: {  	v2 =	vld.msk [tilespmem:s15+$0x0 ss:$0x1], $0xffff;
	v1 =	vnsel vm1, $0x0, v0  }
0x31: {  	v1 =	vmin.u32 v1, $0x4E1F;
	_ =	sdelay $0x2  }
0x32: {  	s17 =	simm.s32 $0x20;
	s14 =	sor.u32 $0xA0, s14;
	s16 =	sadd.s32 $0x10, s15  }
0x33: {  	s15 =	sadd.s32 $0x10, s14;
	s18 =	smov.u32 s14;
	v0 =	vld.msk [tilespmem:s16+$0x0 ss:$0x1], $0xffff;
	vm1 =	vgt.s32 v2, $0x0;
	(ifvalue) =	ssetifvalue $0x7FFFFFFF  }
.LBB2_3:
0x34: {  	[tilespmem:s18], [sflag:$0x1] =	stream.indirect_vreg.gather [hbm4b:s3+s10], $0x1, v1, vm0, $0x4038;
	[tilespmem:$0x140] =	vst v63  }
0x35: {  	s17 =	sadd.s32 $0x10, s17  }
0x36: {  	v2 =	vnsel vm1, $0x0, v2;
	p0 =	slt.u32 s17, $0x40  }
.Ltmp3:
0x37: {  	s18 =	smov.u32 s15;
	v1 =	vmin.u32 v2, $0x4E1F;
	(pc) =	sbr.rel @p0 .LBB2_3-.Ltmp3, $3  }
0x38: {  	_ =	sdelay $0x1  }
0x39: {  	s16 =	sadd.s32 $0x10, s16  }
0x3a: {  	vm1 =	vgt.s32 v0, $0x0;
	s15 =	sadd.s32 $0x10, s15;
	v2 =	vmov v0;
	(ifvalue) =	ssetifvalue $0x7FFFFFFF;
	v0 =	vld.msk [tilespmem:s16+$0x0 ss:$0x1], $0xffff  }
.Ltmp4:
0x3b: {  	_ = 	snop;
	(pc) =	sbr.rel .LBB2_4-.Ltmp4, $1  }
0x3c: {  	_ =	sdelay $0x3  }
.LBB2_6:
0x3d: {  	_ =	sfence.sel $0x180000  }
0x3e: {  	s2 =	simm.s32 $0x2;
	[bflag:$0x0] =	sbarrier.arrive $0xFFFF  }
0x3f: {  	s30 =	simm.s32 $0x3;
	[sflag:s2] =	ssyncpa.u1 $0x1  }
0x40: {  	s31 =	simm.s32 $0x1;
	[sflag:s30] =	ssyncpa.u1 $0x1  }
0x41: {  	[sflag:s31] =	ssyncpa.u1 $0x1  }
0x42: {  	p0 =	sne.s32 s1, $0x0;
	_ =	strace $0x9000004D  }
0x43: {  	s0 =	sadd.s32 @!p0 $0x100000, s0;
	[bflag:$0x2] =	sbarrier.arrive $0xFFFF  }
0x44: {  	[sflag:s0] =	ssyncadd.tile.s32 @!p0 $0x1;
	_ =	shalt  }
.Lfunc_end2:
_tile_overlayer_lowered:
.L_overlay_start_2:
0x45: {  	(tag) =	ssettag $0x2  }
0x46: {  	s0 =	rddreg [dreg:$0x0];
	s2 =	stileid.u32  }
0x47: {  	s1 =	rddreg [dreg:$0x1];
	p0 =	sne.s32 s2, $0x0  }
0x48: {  	s3 =	rddreg [dreg:$0x2];
	[bflag:$0x3] =	sbarrier.arrive $0xFFFF;
	s2 =	simm.s32 @!p0 $0x1C01  }
0x49: {  	[timem:s3], [sflag:s2] =	dma.local @!p0 [hbm:s0], s1  }
0x4a: {  	s0 =	simm.s32 @!p0 $0x1  }
0x4b: {  	_ =	swait.ge @!p0 [sflag:s0], s1  }
0x4c: {  	s1 =	ssub.s32 @!p0 $0x0, s1;
	[sflag:s0] =	ssyncset.done @!p0 $0x0  }
0x4d: {  	[sflag:s0] =	ssyncadd.s32 @!p0 s1  }
0x4e: {  	[bflag:$0x3] =	sbarrier.arrive $0xFFFF  }
0x4f: {  	_ =	shalt  }

// kernel: gather_offload_async_start.2
scs
__scs_entry_jumppad:
0x0: {  	(pc) =	sbr.rel $0x88, $3  }
0x1: {  	(tag) =	ssettag $0x0;
	lr =	simm.s32 $0x1  }
0x2: {  	[smem:$0x3F9F] =	sst lr;
	_ =	strace $0xD0000000  }
0x3: {  	_ = 	snop  }
0x4: {  	_ = 	snop  }
0x5: {  	_ = 	snop  }
0x6: {  	_ = 	snop  }
0x7: {  	_ = 	snop  }
__scs_overlays_trampoline_lowered:
0x8: {  	[smem:$0x3FAE] =	sst s0  }
0x9: {  	[smem:$0x3FAF] =	sst s1  }
0xa: {  	[smem:$0x3FB0] =	sst s2  }
0xb: {  	[smem:$0x3FB1] =	sst s3  }
0xc: {  	[smem:$0x3FB2] =	sst s4  }
0xd: {  	[smem:$0x3FB3] =	sst s5  }
0xe: {  	[smem:$0x3FB4] =	sst s6  }
0xf: {  	[smem:$0x3FB5] =	sst s7  }
0x10: {  	[smem:$0x3FB6] =	sst s8  }
0x11: {  	[smem:$0x3FB7] =	sst s9;
	s0 =	simm.s32 @!p0 $0x0  }
0x12: {  	s1 =	sld [smem:$0x3F9D];
	s0 =	simm.s32 @p0 $0x1  }
0x13: {  	[smem:$0x3FB8] =	sst s0;
	s0 =	simm.s32 @!p1 $0x0  }
0x14: {  	s2 =	sld [smem:$0x3F9C];
	s0 =	simm.s32 @p1 $0x1  }
0x15: {  	[smem:$0x3FB9] =	sst s0;
	s0 =	simm.s32 @!p2 $0x0  }
0x16: {  	s3 =	sld [smem:$0x3FDB];
	s0 =	simm.s32 @p2 $0x1  }
0x17: {  	s4 =	simm.s32 $0x1BF5;
	[smem:$0x3FBB] =	sst s0  }
0x18: {  	s0 =	sld [smem:$0x3F9E];
	_ =	swait.ge [sflag:s4], $0x0  }
0x19: {  	s7 =	sld [smem:$0x3F9F]  }
0x1a: {  	s8 =	sadd.s32 $0xFFFFE003, lr  }
0x1b: {  	s9 =	sadd.s32 $0xFFFFFEF7, lr;
	s5 =	simm.s32 $0xFFFFFFFF;
	p2 =	slt.u32 s8, $0xFFFFF086  }
0x1c: {  	p1 =	slt.u32 s9, $0xF7A;
	s5 =	simm.s32 @!p2 $0x0  }
0x1d: {  	s5 =	simm.s32 @p1 $0x1;
	p0 =	seq.s32 s7, s2  }
0x1e: {  	s7 =	smul.u32 @!p0 $0xF7A, s2;
	p2 =	seq.s32 @!p0 s5, $0x0  }
0x1f: {  	s9 =	smul.u32 $0xF7A, s1;
	s8 =	simm.s32 @!p0 $0x1BF5;
	p2 =	por !p2, p0  }
0x20: {  	[sflag:s8] =	ssyncset.s32 @!p0 $0xFFFFF086;
	s6 =	sadd.s32 @!p0 s3, s7;
	s7 =	simm.s32 @!p0 $0x108  }
0x21: {  	s3 =	sadd.s32 s3, s9;
	s6 =	sadd.s32 @!p0 $0x88, s6;
	s7 =	simm.s32 @p2 $0x1082  }
0x22: {  	[simem:s7], [sflag:s8] =	dma.local @!p0 [hbm:s6], $0xF7A  }
0x23: {  	s9 =	sor.u32 $0xD0000000, s2;
	s6 =	simm.s32 $0x108;
	_ =	swait.ge @!p0 [sflag:s8], $0x0  }
0x24: {  	s3 =	sadd.s32 $0x88, s3;
	s6 =	simm.s32 @!p1 $0x1082;
	[sflag:s4] =	ssyncset.s32 $0xFFFFF086  }
0x25: {  	[simem:s6], [sflag:s4] =	dma.local [hbm:s3], $0xF7A  }
0x26: {  	[smem:$0x3F9F] =	sst s1;
	(tag) =	ssettag s2;
	_ =	strace s9  }
0x27: {  	s1 =	sld [smem:$0x3FAF]  }
0x28: {  	s2 =	sld [smem:$0x3FB0]  }
0x29: {  	s4 =	sld [smem:$0x3FB2]  }
0x2a: {  	p0 =	seq.s32 s5, $0x0;
	s5 =	sld [smem:$0x3FB3]  }
0x2b: {  	s6 =	sld [smem:$0x3FB4]  }
0x2c: {  	s7 =	sld [smem:$0x3FB5]  }
0x2d: {  	s3 =	simm.s32 $0x108;
	s8 =	sld [smem:$0x3FB6]  }
0x2e: {  	s3 =	simm.s32 @!p0 $0x1082;
	s9 =	sld [smem:$0x3FB7]  }
0x2f: {  	lr =	sadd.s32 s0, s3;
	s0 =	sld [smem:$0x3FAE]  }
0x30: {  	s3 =	sld [smem:$0x3FB1]  }
0x31: {  	[smem:$0x3FBA] =	sst s10  }
0x32: {  	s10 =	sld [smem:$0x3FB8];
	_ =	sdelay $0x3  }
0x33: {  	p0 =	seq.s32 s10, $0x1;
	s10 =	sld [smem:$0x3FBA];
	_ =	sdelay $0x3  }
0x34: {  	[smem:$0x3FBA] =	sst s10  }
0x35: {  	s10 =	sld [smem:$0x3FB9];
	_ =	sdelay $0x3  }
0x36: {  	p1 =	seq.s32 s10, $0x1;
	s10 =	sld [smem:$0x3FBA];
	_ =	sdelay $0x3  }
0x37: {  	[smem:$0x3FBA] =	sst s10  }
0x38: {  	s10 =	sld [smem:$0x3FBB]  }
0x39: {  	_ = 	snop;
	(pc) =	sbr.ind lr, $3  }
0x3a: {  	_ = 	snop  }
0x3b: {  	_ = 	snop  }
0x3c: {  	p2 =	seq.s32 s10, $0x1;
	s10 =	sld [smem:$0x3FBA]  }
0x3d: {  	_ =	shalt  }
0x3e: {  	_ =	shalt  }
0x3f: {  	_ =	shalt  }
0x40: {  	_ =	shalt  }
0x41: {  	_ =	shalt  }
0x42: {  	_ =	shalt  }
0x43: {  	_ =	shalt  }
0x44: {  	_ =	shalt  }
0x45: {  	_ =	shalt  }
0x46: {  	_ =	shalt  }
0x47: {  	_ =	shalt  }
0x48: {  	_ =	shalt  }
0x49: {  	_ =	shalt  }
0x4a: {  	_ =	shalt  }
0x4b: {  	_ =	shalt  }
0x4c: {  	_ =	shalt  }
0x4d: {  	_ =	shalt  }
0x4e: {  	_ =	shalt  }
0x4f: {  	_ =	shalt  }
0x50: {  	_ =	shalt  }
0x51: {  	_ =	shalt  }
0x52: {  	_ =	shalt  }
0x53: {  	_ =	shalt  }
0x54: {  	_ =	shalt  }
0x55: {  	_ =	shalt  }
0x56: {  	_ =	shalt  }
0x57: {  	_ =	shalt  }
0x58: {  	_ =	shalt  }
0x59: {  	_ =	shalt  }
0x5a: {  	_ =	shalt  }
0x5b: {  	_ =	shalt  }
0x5c: {  	_ =	shalt  }
0x5d: {  	_ =	shalt  }
0x5e: {  	_ =	shalt  }
0x5f: {  	_ =	shalt  }
0x60: {  	_ =	shalt  }
0x61: {  	_ =	shalt  }
0x62: {  	_ =	shalt  }
0x63: {  	_ =	shalt  }
0x64: {  	_ =	shalt  }
0x65: {  	_ =	shalt  }
0x66: {  	_ =	shalt  }
0x67: {  	_ =	shalt  }
0x68: {  	_ =	shalt  }
0x69: {  	_ =	shalt  }
0x6a: {  	_ =	shalt  }
0x6b: {  	_ =	shalt  }
0x6c: {  	_ =	shalt  }
0x6d: {  	_ =	shalt  }
0x6e: {  	_ =	shalt  }
0x6f: {  	_ =	shalt  }
0x70: {  	_ =	shalt  }
0x71: {  	_ =	shalt  }
0x72: {  	_ =	shalt  }
0x73: {  	_ =	shalt  }
0x74: {  	_ =	shalt  }
0x75: {  	_ =	shalt  }
0x76: {  	_ =	shalt  }
0x77: {  	_ =	shalt  }
0x78: {  	_ =	shalt  }
0x79: {  	_ =	shalt  }
0x7a: {  	_ =	shalt  }
0x7b: {  	_ =	shalt  }
0x7c: {  	_ =	shalt  }
0x7d: {  	_ =	shalt  }
0x7e: {  	_ =	shalt  }
0x7f: {  	_ =	shalt  }
0x80: {  	_ =	shalt  }
0x81: {  	_ =	shalt  }
0x82: {  	_ =	shalt  }
0x83: {  	_ =	shalt  }
0x84: {  	_ =	shalt  }
0x85: {  	_ =	shalt  }
0x86: {  	_ =	shalt  }
0x87: {  	_ =	shalt  }
.Lfunc_end0:
.L_simem_size_0:
called_computation.2_lowered:
.L_overlay_start_0:
0x88: {  	s0 =	sld [smem:$0x3FD9]  }
0x89: {  	s1 =	sld [smem:$0x3FFE];
	_ =	sdelay $0x3  }
0x8a: {  	s0 =	sadd.s32 s1, s0  }
0x8b: {  	[smem:$0x3FC6] =	sst s0  }
0x8c: {  	_ = 	snop  }
0x8d: {  	s0 =	sld [smem:$0x3FD0];
	(tm) =	ssettm $0x1  }
0x8e: {  	s16 =	sld [smem:$0x3FFB];
	_ =	sdelay $0x3  }
0x8f: {  	_ =	strace s16  }
0x90: {  	s1 =	sld [smem:$0x3FFC];
	_ =	sdelay $0x3  }
0x91: {  	_ =	strace s1  }
0x92: {  	s1 =	sld [smem:$0x3FFD];
	_ =	sdelay $0x3  }
0x93: {  	_ =	strace s1  }
0x94: {  	_ =	strace $0x8FFFFFFF  }
0x95: {  	s17 =	sld [smem:$0x3FDB];
	_ =	sdelay $0x1  }
0x96: {  	s2 =	simm.s32 $_scs_section_size  }
0x97: {  	s3 =	simm.s32 $_size__tile_overlayer_lowered;
	s4 =	simm.s32 $_tile_overlayer_lowered  }
0x98: {  	s20 =	simm.s32 $0x1BFF;
	s19 =	sshll.u32 s4, $0x1;
	s1 =	sadd.s32 s2, s17  }
0x99: {  	s5 =	simm.s32 $0x0;
	s18 =	sshll.u32 s3, $0x1;
	s3 =	sadd.s32 s19, s1  }
0x9a: {  	[timem:s5], [sflag:s20] =	dma.local [hbm:s3], s18  }
0x9b: {  	_ =	swait.ge [sflag:s20], s18  }
0x9c: {  	s2 =	ssub.s32 $0x0, s18;
	[sflag:s20] =	ssyncset.done $0x0  }
0x9d: {  	[sflag:s20] =	ssyncadd.s32 s2;
	_ =	sdelay $0x1  }
0x9e: {  	s21 =	simm.s32 $0x1B8B  }
0x9f: {  	_ =	swait.ge [sflag:s21], $0x1  }
0xa0: {  	[sflag:s21] =	ssyncset.done $0x0  }
0xa1: {  	s23 =	simm.s32 $0x1B8E;
	s22 =	sld [smem:$0x3FFE];
	[sflag:s21] =	ssyncadd.s32 $0xFFFFFFFF  }
0xa2: {  	s24 =	simm.s32 $execute0_lowered;
	[smem:$0x3FD2] =	sst s23  }
0xa3: {  	s3 =	sshll.u32 s24, $0x1;
	_ =	strace $0x80000049;
	[dreg:$0x1] =	wrdreg $0xFFFFFFFF  }
0xa4: {  	s25 =	simm.s32 $_size_execute0_lowered;
	s1 =	sadd.s32 s1, s3;
	[dreg:$0x0] =	wrdreg $0x0  }
0xa5: {  	s3 =	sshll.u32 s25, $0x1;
	[dreg:$0x2] =	wrdreg s1  }
0xa6: {  	[dreg:$0x3] =	wrdreg s3  }
0xa7: {  	[dreg:$0x4] =	wrdreg $0xC0  }
0xa8: {  	_ =	task [dreg:s5], $0x5FFFF  }
0xa9: {  	[dreg:$0x1] =	wrdreg $0xFFFFFFFF  }
0xaa: {  	[dreg:$0x0] =	wrdreg $0x60  }
0xab: {  	[dreg:$0x2] =	wrdreg s22  }
0xac: {  	[dreg:$0x3] =	wrdreg s0  }
0xad: {  	[dreg:$0x4] =	wrdreg $0xA  }
0xae: {  	_ =	task.clear_ibuf [dreg:s5], $0x5FFFF;
	_ =	strace $0x90000049  }
0xaf: {  	s26 =	simm.s32 $0xA;
	_ =	strace $0x8000004B  }
0xb0: {  	_ =	swait.ge [sflag:s26], $0x1  }
0xb1: {  	[sflag:s26] =	ssyncadd.s32 $0xFFFFFFFF  }
0xb2: {  	_ =	strace $0x9000004B  }
0xb3: {  	_ =	sfence  }
0xb4: {  	s28 =	sld [smem:$0x0];
	_ =	sdelay $0x1  }
0xb5: {  	s29 =	srdreg.scid  }
0xb6: {  	s30 =	sshll.u32 s29, $0xD;
	s31 =	sshrl.u32 s29, $0x2  }
0xb7: {  	s2 =	sand.u32 $0x4000, s30;
	s1 =	sand.u32 $0x1, s29;
	s0 =	sadd.s32 s31, s28  }
0xb8: {  	s1 =	sor.u32 s2, s1;
	s0 =	sshll.u32 s0, $0x11  }
0xb9: {  	s0 =	sor.u32 s0, s1  }
0xba: {  	s0 =	sadd.s32 $0x8F2B, s0  }
0xbb: {  	[sflag:s0] =	ssyncadd.remote.s32 $0x1  }
0xbc: {  	_ =	sfence.sel $0xFFFF  }
0xbd: {  	[dreg:$0x0] =	wrdreg $0xFFFFFFFF;
	(pc) =	sbr.abs _section_cstart, $3  }
0xbe: {  	[dreg:$0x1] =	wrdreg $0xFFFFFFFF  }
0xbf: {  	_ =	task.clear_ibuf [dreg:s5], $0x2FFFF;
	_ =	strace $0x9FFFFFFF  }
0xc0: {  	(tm) =	ssettm $0x7FFFFFFF  }
0xc1: {  	_ =	shalt  }
tec
execute0_lowered:
.L_overlay_start_1:
0x0: {  	(tag) =	ssettag $0x1  }
0x1: {  	s8 =	rddreg [dreg:$0x0]  }
0x2: {  	s2 =	rddreg [dreg:$0x1]  }
0x3: {  	s0 =	rddreg [dreg:$0x2]  }
0x4: {  	s1 =	stileid.u32;
	_ =	strace $0x8000004A;
	s5 =	simm.s32 $0x1  }
0x5: {  	s6 =	simm.s32 $0x500;
	s9 =	simm.s32 $0x1;
	s10 =	simm.s32 $0x3  }
0x6: {  	s13 =	simm.s32 $0x0;
	s12 =	simm.s32 $0x0;
	s4 =	smul.u32 $0x50, s1  }
0x7: {  	s3 =	sadd.s32 $0x1400, s8;
	p0 =	slt.u32 s1, $0xA;
	[sflag:s5] =	ssyncpa.u1 $0x0  }
.Ltmp0:
0x8: {  	s6 =	simm.s32 @!p0 $0x0;
	s7 =	ssub.s32 $0x7D0, s4;
	(pc) =	sbr.rel .LBB2_1-.Ltmp0, $4  }
0x9: {  	s9 =	simm.s32 @!p0 $0x0;
	p0 =	sne.s32 s7, s6;
	s7 =	simm.s32 $0x1  }
0xa: {  	s8 =	sadd.s32 $0x2A00, s8;
	s6 =	simm.s32 $0x2;
	s7 =	simm.s32 @!p0 $0x0  }
0xb: {  	s11 =	smov.u32 s4;
	[sflag:s6] =	ssyncpa.u1 $0x0;
	s7 =	sadd.s32 s9, s7  }
0xc: {  	vm0 =	vmmov $0xffff;
	[sflag:s10] =	ssyncpa.u1 $0x0;
	s10 =	simm.s32 $0x0;
	s9 =	sadd.s32 $0x1, s7  }
.LBB2_4:
0xd: {  	v2 =	vnsel vm1, $0x0, v2  }
0xe: {  	vm1 =	vgt.s32 v0, $0x0;
	v2 =	vmin.u32 v2, $0x4E1F  }
0xf: {  	v0 =	vnsel vm1, $0x0, v0  }
0x10: {  	v0 =	vmin.u32 v0, $0x4E1F  }
0x11: {  	[tilespmem:s18], [sflag:$0x1] =	stream.indirect_vreg.gather [hbm4b:s3+s10], $0x1, v1, vm0, $0x4038;
	[tilespmem:$0x140] =	vst v63  }
0x12: {  	(ifvalue) =	ssetifvalue $0x7FFFFFFF  }
0x13: {  	[tilespmem:s15], [sflag:$0x1] =	stream.indirect_vreg.gather [hbm4b:s3+s10], $0x1, v2, vm0, $0x4038;
	[tilespmem:$0x140] =	vst v63  }
0x14: {  	s29 =	sadd.s32 $0x10, s15;
	(ifvalue) =	ssetifvalue $0x7FFFFFFF  }
0x15: {  	[tilespmem:s29], [sflag:$0x1] =	stream.indirect_vreg.gather [hbm4b:s3+s10], $0x1, v0, vm0, $0x4038;
	[tilespmem:$0x140] =	vst v63  }
0x16: {  	_ =	swait.ge [sflag:s5], $0x50  }
0x17: {  	s30 =	sshrl.u32 s13, $0x3;
	[sflag:s5] =	ssyncset.done $0x0  }
0x18: {  	s31 =	sand.u32 $0x7, s13;
	s15 =	sadd.s32 s8, s30;
	[sflag:s5] =	ssyncadd.s32 $0xFFFFFFB0  }
0x19: {  	[hbm4b:s15+s31] =	stream.linear.scatter [tilespmem:s14], [sflag:$0x3], $0x50, $0x38;
	[tilespmem:$0x140] =	vst v63  }
.LBB2_5:
0x1a: {  	s15 =	sadd.s32 $0x500, s11  }
0x1b: {  	p1 =	sgt.s32 s15, $0x7CF  }
0x1c: {  	s15 =	smov.u32 @p1 s4;
	p1 =	sne.s32 s12, s9  }
.Ltmp1:
0x1d: {  	p0 =	slt.u32 s12, $0x2;
	(pc) =	sbr.rel @!p1 .LBB2_6-.Ltmp1, $4  }
0x1e: {  	s14 =	simm.s32 @!p0 $0x3  }
0x1f: {  	_ =	swait.ge @!p0 [sflag:s14], $0x50  }
0x20: {  	s16 =	sadd.s32 $0x1, s12;
	s13 =	smov.u32 s11;
	[sflag:s14] =	ssyncset.done @!p0 $0x0  }
0x21: {  	s12 =	smov.u32 s16;
	s11 =	smov.u32 s15;
	[sflag:s14] =	ssyncadd.s32 @!p0 $0xFFFFFFB0  }
.LBB2_1:
0x22: {  	p0 =	sge.u32 s12, s7  }
0x23: {  	s14 =	sxor.u32 @!p0 $0x1, s12  }
0x24: {  	s14 =	smul.u32 @!p0 $0x140, s14  }
0x25: {  	s31 =	sadd.s32 $0xFFFFFFFF, s12;
	s15 =	sshrl.u32 @!p0 s11, $0x3  }
0x26: {  	s16 =	sand.u32 @!p0 $0x7, s11;
	s15 =	sadd.s32 @!p0 s2, s15;
	s14 =	sshra.s32 @!p0 s14, $0x2  }
0x27: {  	[tilespmem:s14], [sflag:$0x2] =	stream.linear.gather @!p0 [hbm4b:s15+s16], $0x50, $0x38;
	[tilespmem:$0x140] =	vst v63  }
0x28: {  	p0 =	sge.u32 s31, s7  }
.Ltmp2:
0x29: {  	_ = 	snop;
	(pc) =	sbr.rel @p0 .LBB2_5-.Ltmp2, $1  }
0x2a: {  	_ =	sdelay $0x3  }
0x2b: {  	s14 =	sand.u32 $0x1, s12  }
0x2c: {  	_ =	swait.ge [sflag:s6], $0x50;
	p0 =	seq.s32 s14, $0x1;
	s14 =	simm.s32 $0x50  }
0x2d: {  	[sflag:s6] =	ssyncset.done $0x0;
	s14 =	simm.s32 @!p0 $0x0  }
0x2e: {  	[sflag:s6] =	ssyncadd.s32 $0xFFFFFFB0;
	(ifvalue) =	ssetifvalue $0x7FFFFFFF;
	v0 =	vld.msk [tilespmem:s14+$0x0 ss:$0x1], $0xffff;
	_ =	sdelay $0x4  }
0x2f: {  	s15 =	sadd.s32 $0x10, s14;
	vm1 =	vgt.s32 v0, $0x0  }
0x30: {  	v2 =	vld.msk [tilespmem:s15+$0x0 ss:$0x1], $0xffff;
	v1 =	vnsel vm1, $0x0, v0  }
0x31: {  	v1 =	vmin.u32 v1, $0x4E1F;
	_ =	sdelay $0x2  }
0x32: {  	s17 =	simm.s32 $0x20;
	s14 =	sor.u32 $0xA0, s14;
	s16 =	sadd.s32 $0x10, s15  }
0x33: {  	s15 =	sadd.s32 $0x10, s14;
	s18 =	smov.u32 s14;
	v0 =	vld.msk [tilespmem:s16+$0x0 ss:$0x1], $0xffff;
	vm1 =	vgt.s32 v2, $0x0;
	(ifvalue) =	ssetifvalue $0x7FFFFFFF  }
.LBB2_3:
0x34: {  	[tilespmem:s18], [sflag:$0x1] =	stream.indirect_vreg.gather [hbm4b:s3+s10], $0x1, v1, vm0, $0x4038;
	[tilespmem:$0x140] =	vst v63  }
0x35: {  	s17 =	sadd.s32 $0x10, s17  }
0x36: {  	v2 =	vnsel vm1, $0x0, v2;
	p0 =	slt.u32 s17, $0x40  }
.Ltmp3:
0x37: {  	s18 =	smov.u32 s15;
	v1 =	vmin.u32 v2, $0x4E1F;
	(pc) =	sbr.rel @p0 .LBB2_3-.Ltmp3, $3  }
0x38: {  	_ =	sdelay $0x1  }
0x39: {  	s16 =	sadd.s32 $0x10, s16  }
0x3a: {  	vm1 =	vgt.s32 v0, $0x0;
	s15 =	sadd.s32 $0x10, s15;
	v2 =	vmov v0;
	(ifvalue) =	ssetifvalue $0x7FFFFFFF;
	v0 =	vld.msk [tilespmem:s16+$0x0 ss:$0x1], $0xffff  }
.Ltmp4:
0x3b: {  	_ = 	snop;
	(pc) =	sbr.rel .LBB2_4-.Ltmp4, $1  }
0x3c: {  	_ =	sdelay $0x3  }
.LBB2_6:
0x3d: {  	_ =	sfence.sel $0x180000  }
0x3e: {  	s2 =	simm.s32 $0x2;
	[bflag:$0x0] =	sbarrier.arrive $0xFFFF  }
0x3f: {  	s30 =	simm.s32 $0x3;
	[sflag:s2] =	ssyncpa.u1 $0x1  }
0x40: {  	s31 =	simm.s32 $0x1;
	[sflag:s30] =	ssyncpa.u1 $0x1  }
0x41: {  	[sflag:s31] =	ssyncpa.u1 $0x1  }
0x42: {  	p0 =	sne.s32 s1, $0x0;
	_ =	strace $0x9000004A  }
0x43: {  	s0 =	sadd.s32 @!p0 $0x100000, s0;
	[bflag:$0x2] =	sbarrier.arrive $0xFFFF  }
0x44: {  	[sflag:s0] =	ssyncadd.tile.s32 @!p0 $0x1;
	_ =	shalt  }
.Lfunc_end2:
_tile_overlayer_lowered:
.L_overlay_start_2:
0x45: {  	(tag) =	ssettag $0x2  }
0x46: {  	s0 =	rddreg [dreg:$0x0];
	s2 =	stileid.u32  }
0x47: {  	s1 =	rddreg [dreg:$0x1];
	p0 =	sne.s32 s2, $0x0  }
0x48: {  	s3 =	rddreg [dreg:$0x2];
	[bflag:$0x3] =	sbarrier.arrive $0xFFFF;
	s2 =	simm.s32 @!p0 $0x1C01  }
0x49: {  	[timem:s3], [sflag:s2] =	dma.local @!p0 [hbm:s0], s1  }
0x4a: {  	s0 =	simm.s32 @!p0 $0x1  }
0x4b: {  	_ =	swait.ge @!p0 [sflag:s0], s1  }
0x4c: {  	s1 =	ssub.s32 @!p0 $0x0, s1;
	[sflag:s0] =	ssyncset.done @!p0 $0x0  }
0x4d: {  	[sflag:s0] =	ssyncadd.s32 @!p0 s1  }
0x4e: {  	[bflag:$0x3] =	sbarrier.arrive $0xFFFF  }
0x4f: {  	_ =	shalt  }

// kernel: gather_offload_async_start.3
scs
__scs_entry_jumppad:
0x0: {  	(pc) =	sbr.rel $0x88, $3  }
0x1: {  	(tag) =	ssettag $0x0;
	lr =	simm.s32 $0x1  }
0x2: {  	[smem:$0x3F9F] =	sst lr;
	_ =	strace $0xD0000000  }
0x3: {  	_ = 	snop  }
0x4: {  	_ = 	snop  }
0x5: {  	_ = 	snop  }
0x6: {  	_ = 	snop  }
0x7: {  	_ = 	snop  }
__scs_overlays_trampoline_lowered:
0x8: {  	[smem:$0x3FAE] =	sst s0  }
0x9: {  	[smem:$0x3FAF] =	sst s1  }
0xa: {  	[smem:$0x3FB0] =	sst s2  }
0xb: {  	[smem:$0x3FB1] =	sst s3  }
0xc: {  	[smem:$0x3FB2] =	sst s4  }
0xd: {  	[smem:$0x3FB3] =	sst s5  }
0xe: {  	[smem:$0x3FB4] =	sst s6  }
0xf: {  	[smem:$0x3FB5] =	sst s7  }
0x10: {  	[smem:$0x3FB6] =	sst s8  }
0x11: {  	[smem:$0x3FB7] =	sst s9;
	s0 =	simm.s32 @!p0 $0x0  }
0x12: {  	s1 =	sld [smem:$0x3F9D];
	s0 =	simm.s32 @p0 $0x1  }
0x13: {  	[smem:$0x3FB8] =	sst s0;
	s0 =	simm.s32 @!p1 $0x0  }
0x14: {  	s2 =	sld [smem:$0x3F9C];
	s0 =	simm.s32 @p1 $0x1  }
0x15: {  	[smem:$0x3FB9] =	sst s0;
	s0 =	simm.s32 @!p2 $0x0  }
0x16: {  	s3 =	sld [smem:$0x3FDB];
	s0 =	simm.s32 @p2 $0x1  }
0x17: {  	s4 =	simm.s32 $0x1BF5;
	[smem:$0x3FBB] =	sst s0  }
0x18: {  	s0 =	sld [smem:$0x3F9E];
	_ =	swait.ge [sflag:s4], $0x0  }
0x19: {  	s7 =	sld [smem:$0x3F9F]  }
0x1a: {  	s8 =	sadd.s32 $0xFFFFE003, lr  }
0x1b: {  	s9 =	sadd.s32 $0xFFFFFEF7, lr;
	s5 =	simm.s32 $0xFFFFFFFF;
	p2 =	slt.u32 s8, $0xFFFFF086  }
0x1c: {  	p1 =	slt.u32 s9, $0xF7A;
	s5 =	simm.s32 @!p2 $0x0  }
0x1d: {  	s5 =	simm.s32 @p1 $0x1;
	p0 =	seq.s32 s7, s2  }
0x1e: {  	s7 =	smul.u32 @!p0 $0xF7A, s2;
	p2 =	seq.s32 @!p0 s5, $0x0  }
0x1f: {  	s9 =	smul.u32 $0xF7A, s1;
	s8 =	simm.s32 @!p0 $0x1BF5;
	p2 =	por !p2, p0  }
0x20: {  	[sflag:s8] =	ssyncset.s32 @!p0 $0xFFFFF086;
	s6 =	sadd.s32 @!p0 s3, s7;
	s7 =	simm.s32 @!p0 $0x108  }
0x21: {  	s3 =	sadd.s32 s3, s9;
	s6 =	sadd.s32 @!p0 $0x88, s6;
	s7 =	simm.s32 @p2 $0x1082  }
0x22: {  	[simem:s7], [sflag:s8] =	dma.local @!p0 [hbm:s6], $0xF7A  }
0x23: {  	s9 =	sor.u32 $0xD0000000, s2;
	s6 =	simm.s32 $0x108;
	_ =	swait.ge @!p0 [sflag:s8], $0x0  }
0x24: {  	s3 =	sadd.s32 $0x88, s3;
	s6 =	simm.s32 @!p1 $0x1082;
	[sflag:s4] =	ssyncset.s32 $0xFFFFF086  }
0x25: {  	[simem:s6], [sflag:s4] =	dma.local [hbm:s3], $0xF7A  }
0x26: {  	[smem:$0x3F9F] =	sst s1;
	(tag) =	ssettag s2;
	_ =	strace s9  }
0x27: {  	s1 =	sld [smem:$0x3FAF]  }
0x28: {  	s2 =	sld [smem:$0x3FB0]  }
0x29: {  	s4 =	sld [smem:$0x3FB2]  }
0x2a: {  	p0 =	seq.s32 s5, $0x0;
	s5 =	sld [smem:$0x3FB3]  }
0x2b: {  	s6 =	sld [smem:$0x3FB4]  }
0x2c: {  	s7 =	sld [smem:$0x3FB5]  }
0x2d: {  	s3 =	simm.s32 $0x108;
	s8 =	sld [smem:$0x3FB6]  }
0x2e: {  	s3 =	simm.s32 @!p0 $0x1082;
	s9 =	sld [smem:$0x3FB7]  }
0x2f: {  	lr =	sadd.s32 s0, s3;
	s0 =	sld [smem:$0x3FAE]  }
0x30: {  	s3 =	sld [smem:$0x3FB1]  }
0x31: {  	[smem:$0x3FBA] =	sst s10  }
0x32: {  	s10 =	sld [smem:$0x3FB8];
	_ =	sdelay $0x3  }
0x33: {  	p0 =	seq.s32 s10, $0x1;
	s10 =	sld [smem:$0x3FBA];
	_ =	sdelay $0x3  }
0x34: {  	[smem:$0x3FBA] =	sst s10  }
0x35: {  	s10 =	sld [smem:$0x3FB9];
	_ =	sdelay $0x3  }
0x36: {  	p1 =	seq.s32 s10, $0x1;
	s10 =	sld [smem:$0x3FBA];
	_ =	sdelay $0x3  }
0x37: {  	[smem:$0x3FBA] =	sst s10  }
0x38: {  	s10 =	sld [smem:$0x3FBB]  }
0x39: {  	_ = 	snop;
	(pc) =	sbr.ind lr, $3  }
0x3a: {  	_ = 	snop  }
0x3b: {  	_ = 	snop  }
0x3c: {  	p2 =	seq.s32 s10, $0x1;
	s10 =	sld [smem:$0x3FBA]  }
0x3d: {  	_ =	shalt  }
0x3e: {  	_ =	shalt  }
0x3f: {  	_ =	shalt  }
0x40: {  	_ =	shalt  }
0x41: {  	_ =	shalt  }
0x42: {  	_ =	shalt  }
0x43: {  	_ =	shalt  }
0x44: {  	_ =	shalt  }
0x45: {  	_ =	shalt  }
0x46: {  	_ =	shalt  }
0x47: {  	_ =	shalt  }
0x48: {  	_ =	shalt  }
0x49: {  	_ =	shalt  }
0x4a: {  	_ =	shalt  }
0x4b: {  	_ =	shalt  }
0x4c: {  	_ =	shalt  }
0x4d: {  	_ =	shalt  }
0x4e: {  	_ =	shalt  }
0x4f: {  	_ =	shalt  }
0x50: {  	_ =	shalt  }
0x51: {  	_ =	shalt  }
0x52: {  	_ =	shalt  }
0x53: {  	_ =	shalt  }
0x54: {  	_ =	shalt  }
0x55: {  	_ =	shalt  }
0x56: {  	_ =	shalt  }
0x57: {  	_ =	shalt  }
0x58: {  	_ =	shalt  }
0x59: {  	_ =	shalt  }
0x5a: {  	_ =	shalt  }
0x5b: {  	_ =	shalt  }
0x5c: {  	_ =	shalt  }
0x5d: {  	_ =	shalt  }
0x5e: {  	_ =	shalt  }
0x5f: {  	_ =	shalt  }
0x60: {  	_ =	shalt  }
0x61: {  	_ =	shalt  }
0x62: {  	_ =	shalt  }
0x63: {  	_ =	shalt  }
0x64: {  	_ =	shalt  }
0x65: {  	_ =	shalt  }
0x66: {  	_ =	shalt  }
0x67: {  	_ =	shalt  }
0x68: {  	_ =	shalt  }
0x69: {  	_ =	shalt  }
0x6a: {  	_ =	shalt  }
0x6b: {  	_ =	shalt  }
0x6c: {  	_ =	shalt  }
0x6d: {  	_ =	shalt  }
0x6e: {  	_ =	shalt  }
0x6f: {  	_ =	shalt  }
0x70: {  	_ =	shalt  }
0x71: {  	_ =	shalt  }
0x72: {  	_ =	shalt  }
0x73: {  	_ =	shalt  }
0x74: {  	_ =	shalt  }
0x75: {  	_ =	shalt  }
0x76: {  	_ =	shalt  }
0x77: {  	_ =	shalt  }
0x78: {  	_ =	shalt  }
0x79: {  	_ =	shalt  }
0x7a: {  	_ =	shalt  }
0x7b: {  	_ =	shalt  }
0x7c: {  	_ =	shalt  }
0x7d: {  	_ =	shalt  }
0x7e: {  	_ =	shalt  }
0x7f: {  	_ =	shalt  }
0x80: {  	_ =	shalt  }
0x81: {  	_ =	shalt  }
0x82: {  	_ =	shalt  }
0x83: {  	_ =	shalt  }
0x84: {  	_ =	shalt  }
0x85: {  	_ =	shalt  }
0x86: {  	_ =	shalt  }
0x87: {  	_ =	shalt  }
.Lfunc_end0:
.L_simem_size_0:
called_computation.3_lowered:
.L_overlay_start_0:
0x88: {  	s0 =	sld [smem:$0x3FD9]  }
0x89: {  	s1 =	sld [smem:$0x3FFE];
	_ =	sdelay $0x3  }
0x8a: {  	s0 =	sadd.s32 s1, s0  }
0x8b: {  	[smem:$0x3FC6] =	sst s0  }
0x8c: {  	_ = 	snop  }
0x8d: {  	s0 =	sld [smem:$0x3FD0];
	(tm) =	ssettm $0x1  }
0x8e: {  	s16 =	sld [smem:$0x3FFB];
	_ =	sdelay $0x3  }
0x8f: {  	_ =	strace s16  }
0x90: {  	s1 =	sld [smem:$0x3FFC];
	_ =	sdelay $0x3  }
0x91: {  	_ =	strace s1  }
0x92: {  	s1 =	sld [smem:$0x3FFD];
	_ =	sdelay $0x3  }
0x93: {  	_ =	strace s1  }
0x94: {  	_ =	strace $0x8FFFFFFF  }
0x95: {  	s17 =	sld [smem:$0x3FDB];
	_ =	sdelay $0x1  }
0x96: {  	s2 =	simm.s32 $_scs_section_size  }
0x97: {  	s3 =	simm.s32 $_size__tile_overlayer_lowered;
	s4 =	simm.s32 $_tile_overlayer_lowered  }
0x98: {  	s20 =	simm.s32 $0x1BFF;
	s19 =	sshll.u32 s4, $0x1;
	s1 =	sadd.s32 s2, s17  }
0x99: {  	s5 =	simm.s32 $0x0;
	s18 =	sshll.u32 s3, $0x1;
	s3 =	sadd.s32 s19, s1  }
0x9a: {  	[timem:s5], [sflag:s20] =	dma.local [hbm:s3], s18  }
0x9b: {  	_ =	swait.ge [sflag:s20], s18  }
0x9c: {  	s2 =	ssub.s32 $0x0, s18;
	[sflag:s20] =	ssyncset.done $0x0  }
0x9d: {  	[sflag:s20] =	ssyncadd.s32 s2;
	_ =	sdelay $0x1  }
0x9e: {  	s21 =	simm.s32 $0x1B8B  }
0x9f: {  	_ =	swait.ge [sflag:s21], $0x1  }
0xa0: {  	[sflag:s21] =	ssyncset.done $0x0  }
0xa1: {  	s23 =	simm.s32 $0x1B8E;
	s22 =	sld [smem:$0x3FFE];
	[sflag:s21] =	ssyncadd.s32 $0xFFFFFFFF  }
0xa2: {  	s24 =	simm.s32 $execute0_lowered;
	[smem:$0x3FD2] =	sst s23  }
0xa3: {  	s3 =	sshll.u32 s24, $0x1;
	_ =	strace $0x80000046;
	[dreg:$0x1] =	wrdreg $0xFFFFFFFF  }
0xa4: {  	s25 =	simm.s32 $_size_execute0_lowered;
	s1 =	sadd.s32 s1, s3;
	[dreg:$0x0] =	wrdreg $0x0  }
0xa5: {  	s3 =	sshll.u32 s25, $0x1;
	[dreg:$0x2] =	wrdreg s1  }
0xa6: {  	[dreg:$0x3] =	wrdreg s3  }
0xa7: {  	[dreg:$0x4] =	wrdreg $0xC0  }
0xa8: {  	_ =	task [dreg:s5], $0x5FFFF  }
0xa9: {  	[dreg:$0x1] =	wrdreg $0xFFFFFFFF  }
0xaa: {  	[dreg:$0x0] =	wrdreg $0x60  }
0xab: {  	[dreg:$0x2] =	wrdreg s22  }
0xac: {  	[dreg:$0x3] =	wrdreg s0  }
0xad: {  	[dreg:$0x4] =	wrdreg $0xB  }
0xae: {  	_ =	task.clear_ibuf [dreg:s5], $0x5FFFF;
	_ =	strace $0x90000046  }
0xaf: {  	s26 =	simm.s32 $0xB;
	_ =	strace $0x80000048  }
0xb0: {  	_ =	swait.ge [sflag:s26], $0x1  }
0xb1: {  	[sflag:s26] =	ssyncadd.s32 $0xFFFFFFFF  }
0xb2: {  	_ =	strace $0x90000048  }
0xb3: {  	_ =	sfence  }
0xb4: {  	s28 =	sld [smem:$0x0];
	_ =	sdelay $0x1  }
0xb5: {  	s29 =	srdreg.scid  }
0xb6: {  	s30 =	sshll.u32 s29, $0xD;
	s31 =	sshrl.u32 s29, $0x2  }
0xb7: {  	s2 =	sand.u32 $0x4000, s30;
	s1 =	sand.u32 $0x1, s29;
	s0 =	sadd.s32 s31, s28  }
0xb8: {  	s1 =	sor.u32 s2, s1;
	s0 =	sshll.u32 s0, $0x11  }
0xb9: {  	s0 =	sor.u32 s0, s1  }
0xba: {  	s0 =	sadd.s32 $0x8F2B, s0  }
0xbb: {  	[sflag:s0] =	ssyncadd.remote.s32 $0x1  }
0xbc: {  	_ =	sfence.sel $0xFFFF  }
0xbd: {  	[dreg:$0x0] =	wrdreg $0xFFFFFFFF;
	(pc) =	sbr.abs _section_cstart, $3  }
0xbe: {  	[dreg:$0x1] =	wrdreg $0xFFFFFFFF  }
0xbf: {  	_ =	task.clear_ibuf [dreg:s5], $0x2FFFF;
	_ =	strace $0x9FFFFFFF  }
0xc0: {  	(tm) =	ssettm $0x7FFFFFFF  }
0xc1: {  	_ =	shalt  }
tec
execute0_lowered:
.L_overlay_start_1:
0x0: {  	(tag) =	ssettag $0x1  }
0x1: {  	s8 =	rddreg [dreg:$0x0]  }
0x2: {  	s2 =	rddreg [dreg:$0x1]  }
0x3: {  	s0 =	rddreg [dreg:$0x2]  }
0x4: {  	s1 =	stileid.u32;
	_ =	strace $0x80000047;
	s5 =	simm.s32 $0x1  }
0x5: {  	s6 =	simm.s32 $0x500;
	s9 =	simm.s32 $0x1;
	s10 =	simm.s32 $0x3  }
0x6: {  	s13 =	simm.s32 $0x0;
	s12 =	simm.s32 $0x0;
	s4 =	smul.u32 $0x50, s1  }
0x7: {  	s3 =	sadd.s32 $0x1E00, s8;
	p0 =	slt.u32 s1, $0xA;
	[sflag:s5] =	ssyncpa.u1 $0x0  }
.Ltmp0:
0x8: {  	s6 =	simm.s32 @!p0 $0x0;
	s7 =	ssub.s32 $0x7D0, s4;
	(pc) =	sbr.rel .LBB2_1-.Ltmp0, $4  }
0x9: {  	s9 =	simm.s32 @!p0 $0x0;
	p0 =	sne.s32 s7, s6;
	s7 =	simm.s32 $0x1  }
0xa: {  	s8 =	sadd.s32 $0x2800, s8;
	s6 =	simm.s32 $0x2;
	s7 =	simm.s32 @!p0 $0x0  }
0xb: {  	s11 =	smov.u32 s4;
	[sflag:s6] =	ssyncpa.u1 $0x0;
	s7 =	sadd.s32 s9, s7  }
0xc: {  	vm0 =	vmmov $0xffff;
	[sflag:s10] =	ssyncpa.u1 $0x0;
	s10 =	simm.s32 $0x0;
	s9 =	sadd.s32 $0x1, s7  }
.LBB2_4:
0xd: {  	v2 =	vnsel vm1, $0x0, v2  }
0xe: {  	vm1 =	vgt.s32 v0, $0x0;
	v2 =	vmin.u32 v2, $0x4E1F  }
0xf: {  	v0 =	vnsel vm1, $0x0, v0  }
0x10: {  	v0 =	vmin.u32 v0, $0x4E1F  }
0x11: {  	[tilespmem:s18], [sflag:$0x1] =	stream.indirect_vreg.gather [hbm4b:s3+s10], $0x1, v1, vm0, $0x4038;
	[tilespmem:$0x140] =	vst v63  }
0x12: {  	(ifvalue) =	ssetifvalue $0x7FFFFFFF  }
0x13: {  	[tilespmem:s15], [sflag:$0x1] =	stream.indirect_vreg.gather [hbm4b:s3+s10], $0x1, v2, vm0, $0x4038;
	[tilespmem:$0x140] =	vst v63  }
0x14: {  	s29 =	sadd.s32 $0x10, s15;
	(ifvalue) =	ssetifvalue $0x7FFFFFFF  }
0x15: {  	[tilespmem:s29], [sflag:$0x1] =	stream.indirect_vreg.gather [hbm4b:s3+s10], $0x1, v0, vm0, $0x4038;
	[tilespmem:$0x140] =	vst v63  }
0x16: {  	_ =	swait.ge [sflag:s5], $0x50  }
0x17: {  	s30 =	sshrl.u32 s13, $0x3;
	[sflag:s5] =	ssyncset.done $0x0  }
0x18: {  	s31 =	sand.u32 $0x7, s13;
	s15 =	sadd.s32 s8, s30;
	[sflag:s5] =	ssyncadd.s32 $0xFFFFFFB0  }
0x19: {  	[hbm4b:s15+s31] =	stream.linear.scatter [tilespmem:s14], [sflag:$0x3], $0x50, $0x38;
	[tilespmem:$0x140] =	vst v63  }
.LBB2_5:
0x1a: {  	s15 =	sadd.s32 $0x500, s11  }
0x1b: {  	p1 =	sgt.s32 s15, $0x7CF  }
0x1c: {  	s15 =	smov.u32 @p1 s4;
	p1 =	sne.s32 s12, s9  }
.Ltmp1:
0x1d: {  	p0 =	slt.u32 s12, $0x2;
	(pc) =	sbr.rel @!p1 .LBB2_6-.Ltmp1, $4  }
0x1e: {  	s14 =	simm.s32 @!p0 $0x3  }
0x1f: {  	_ =	swait.ge @!p0 [sflag:s14], $0x50  }
0x20: {  	s16 =	sadd.s32 $0x1, s12;
	s13 =	smov.u32 s11;
	[sflag:s14] =	ssyncset.done @!p0 $0x0  }
0x21: {  	s12 =	smov.u32 s16;
	s11 =	smov.u32 s15;
	[sflag:s14] =	ssyncadd.s32 @!p0 $0xFFFFFFB0  }
.LBB2_1:
0x22: {  	p0 =	sge.u32 s12, s7  }
0x23: {  	s14 =	sxor.u32 @!p0 $0x1, s12  }
0x24: {  	s14 =	smul.u32 @!p0 $0x140, s14  }
0x25: {  	s31 =	sadd.s32 $0xFFFFFFFF, s12;
	s15 =	sshrl.u32 @!p0 s11, $0x3  }
0x26: {  	s16 =	sand.u32 @!p0 $0x7, s11;
	s15 =	sadd.s32 @!p0 s2, s15;
	s14 =	sshra.s32 @!p0 s14, $0x2  }
0x27: {  	[tilespmem:s14], [sflag:$0x2] =	stream.linear.gather @!p0 [hbm4b:s15+s16], $0x50, $0x38;
	[tilespmem:$0x140] =	vst v63  }
0x28: {  	p0 =	sge.u32 s31, s7  }
.Ltmp2:
0x29: {  	_ = 	snop;
	(pc) =	sbr.rel @p0 .LBB2_5-.Ltmp2, $1  }
0x2a: {  	_ =	sdelay $0x3  }
0x2b: {  	s14 =	sand.u32 $0x1, s12  }
0x2c: {  	_ =	swait.ge [sflag:s6], $0x50;
	p0 =	seq.s32 s14, $0x1;
	s14 =	simm.s32 $0x50  }
0x2d: {  	[sflag:s6] =	ssyncset.done $0x0;
	s14 =	simm.s32 @!p0 $0x0  }
0x2e: {  	[sflag:s6] =	ssyncadd.s32 $0xFFFFFFB0;
	(ifvalue) =	ssetifvalue $0x7FFFFFFF;
	v0 =	vld.msk [tilespmem:s14+$0x0 ss:$0x1], $0xffff;
	_ =	sdelay $0x4  }
0x2f: {  	s15 =	sadd.s32 $0x10, s14;
	vm1 =	vgt.s32 v0, $0x0  }
0x30: {  	v2 =	vld.msk [tilespmem:s15+$0x0 ss:$0x1], $0xffff;
	v1 =	vnsel vm1, $0x0, v0  }
0x31: {  	v1 =	vmin.u32 v1, $0x4E1F;
	_ =	sdelay $0x2  }
0x32: {  	s17 =	simm.s32 $0x20;
	s14 =	sor.u32 $0xA0, s14;
	s16 =	sadd.s32 $0x10, s15  }
0x33: {  	s15 =	sadd.s32 $0x10, s14;
	s18 =	smov.u32 s14;
	v0 =	vld.msk [tilespmem:s16+$0x0 ss:$0x1], $0xffff;
	vm1 =	vgt.s32 v2, $0x0;
	(ifvalue) =	ssetifvalue $0x7FFFFFFF  }
.LBB2_3:
0x34: {  	[tilespmem:s18], [sflag:$0x1] =	stream.indirect_vreg.gather [hbm4b:s3+s10], $0x1, v1, vm0, $0x4038;
	[tilespmem:$0x140] =	vst v63  }
0x35: {  	s17 =	sadd.s32 $0x10, s17  }
0x36: {  	v2 =	vnsel vm1, $0x0, v2;
	p0 =	slt.u32 s17, $0x40  }
.Ltmp3:
0x37: {  	s18 =	smov.u32 s15;
	v1 =	vmin.u32 v2, $0x4E1F;
	(pc) =	sbr.rel @p0 .LBB2_3-.Ltmp3, $3  }
0x38: {  	_ =	sdelay $0x1  }
0x39: {  	s16 =	sadd.s32 $0x10, s16  }
0x3a: {  	vm1 =	vgt.s32 v0, $0x0;
	s15 =	sadd.s32 $0x10, s15;
	v2 =	vmov v0;
	(ifvalue) =	ssetifvalue $0x7FFFFFFF;
	v0 =	vld.msk [tilespmem:s16+$0x0 ss:$0x1], $0xffff  }
.Ltmp4:
0x3b: {  	_ = 	snop;
	(pc) =	sbr.rel .LBB2_4-.Ltmp4, $1  }
0x3c: {  	_ =	sdelay $0x3  }
.LBB2_6:
0x3d: {  	_ =	sfence.sel $0x180000  }
0x3e: {  	s2 =	simm.s32 $0x2;
	[bflag:$0x0] =	sbarrier.arrive $0xFFFF  }
0x3f: {  	s30 =	simm.s32 $0x3;
	[sflag:s2] =	ssyncpa.u1 $0x1  }
0x40: {  	s31 =	simm.s32 $0x1;
	[sflag:s30] =	ssyncpa.u1 $0x1  }
0x41: {  	[sflag:s31] =	ssyncpa.u1 $0x1  }
0x42: {  	p0 =	sne.s32 s1, $0x0;
	_ =	strace $0x90000047  }
0x43: {  	s0 =	sadd.s32 @!p0 $0x100000, s0;
	[bflag:$0x2] =	sbarrier.arrive $0xFFFF  }
0x44: {  	[sflag:s0] =	ssyncadd.tile.s32 @!p0 $0x1;
	_ =	shalt  }
.Lfunc_end2:
_tile_overlayer_lowered:
.L_overlay_start_2:
0x45: {  	(tag) =	ssettag $0x2  }
0x46: {  	s0 =	rddreg [dreg:$0x0];
	s2 =	stileid.u32  }
0x47: {  	s1 =	rddreg [dreg:$0x1];
	p0 =	sne.s32 s2, $0x0  }
0x48: {  	s3 =	rddreg [dreg:$0x2];
	[bflag:$0x3] =	sbarrier.arrive $0xFFFF;
	s2 =	simm.s32 @!p0 $0x1C01  }
0x49: {  	[timem:s3], [sflag:s2] =	dma.local @!p0 [hbm:s0], s1  }
0x4a: {  	s0 =	simm.s32 @!p0 $0x1  }
0x4b: {  	_ =	swait.ge @!p0 [sflag:s0], s1  }
0x4c: {  	s1 =	ssub.s32 @!p0 $0x0, s1;
	[sflag:s0] =	ssyncset.done @!p0 $0x0  }
0x4d: {  	[sflag:s0] =	ssyncadd.s32 @!p0 s1  }
0x4e: {  	[bflag:$0x3] =	sbarrier.arrive $0xFFFF  }
0x4f: {  	_ =	shalt  }

// kernel: gather_offload_async_start
scs
__scs_entry_jumppad:
0x0: {  	(pc) =	sbr.rel $0x88, $3  }
0x1: {  	(tag) =	ssettag $0x0;
	lr =	simm.s32 $0x1  }
0x2: {  	[smem:$0x3F9F] =	sst lr;
	_ =	strace $0xD0000000  }
0x3: {  	_ = 	snop  }
0x4: {  	_ = 	snop  }
0x5: {  	_ = 	snop  }
0x6: {  	_ = 	snop  }
0x7: {  	_ = 	snop  }
__scs_overlays_trampoline_lowered:
0x8: {  	[smem:$0x3FAE] =	sst s0  }
0x9: {  	[smem:$0x3FAF] =	sst s1  }
0xa: {  	[smem:$0x3FB0] =	sst s2  }
0xb: {  	[smem:$0x3FB1] =	sst s3  }
0xc: {  	[smem:$0x3FB2] =	sst s4  }
0xd: {  	[smem:$0x3FB3] =	sst s5  }
0xe: {  	[smem:$0x3FB4] =	sst s6  }
0xf: {  	[smem:$0x3FB5] =	sst s7  }
0x10: {  	[smem:$0x3FB6] =	sst s8  }
0x11: {  	[smem:$0x3FB7] =	sst s9;
	s0 =	simm.s32 @!p0 $0x0  }
0x12: {  	s1 =	sld [smem:$0x3F9D];
	s0 =	simm.s32 @p0 $0x1  }
0x13: {  	[smem:$0x3FB8] =	sst s0;
	s0 =	simm.s32 @!p1 $0x0  }
0x14: {  	s2 =	sld [smem:$0x3F9C];
	s0 =	simm.s32 @p1 $0x1  }
0x15: {  	[smem:$0x3FB9] =	sst s0;
	s0 =	simm.s32 @!p2 $0x0  }
0x16: {  	s3 =	sld [smem:$0x3FDB];
	s0 =	simm.s32 @p2 $0x1  }
0x17: {  	s4 =	simm.s32 $0x1BF5;
	[smem:$0x3FBB] =	sst s0  }
0x18: {  	s0 =	sld [smem:$0x3F9E];
	_ =	swait.ge [sflag:s4], $0x0  }
0x19: {  	s7 =	sld [smem:$0x3F9F]  }
0x1a: {  	s8 =	sadd.s32 $0xFFFFE003, lr  }
0x1b: {  	s9 =	sadd.s32 $0xFFFFFEF7, lr;
	s5 =	simm.s32 $0xFFFFFFFF;
	p2 =	slt.u32 s8, $0xFFFFF086  }
0x1c: {  	p1 =	slt.u32 s9, $0xF7A;
	s5 =	simm.s32 @!p2 $0x0  }
0x1d: {  	s5 =	simm.s32 @p1 $0x1;
	p0 =	seq.s32 s7, s2  }
0x1e: {  	s7 =	smul.u32 @!p0 $0xF7A, s2;
	p2 =	seq.s32 @!p0 s5, $0x0  }
0x1f: {  	s9 =	smul.u32 $0xF7A, s1;
	s8 =	simm.s32 @!p0 $0x1BF5;
	p2 =	por !p2, p0  }
0x20: {  	[sflag:s8] =	ssyncset.s32 @!p0 $0xFFFFF086;
	s6 =	sadd.s32 @!p0 s3, s7;
	s7 =	simm.s32 @!p0 $0x108  }
0x21: {  	s3 =	sadd.s32 s3, s9;
	s6 =	sadd.s32 @!p0 $0x88, s6;
	s7 =	simm.s32 @p2 $0x1082  }
0x22: {  	[simem:s7], [sflag:s8] =	dma.local @!p0 [hbm:s6], $0xF7A  }
0x23: {  	s9 =	sor.u32 $0xD0000000, s2;
	s6 =	simm.s32 $0x108;
	_ =	swait.ge @!p0 [sflag:s8], $0x0  }
0x24: {  	s3 =	sadd.s32 $0x88, s3;
	s6 =	simm.s32 @!p1 $0x1082;
	[sflag:s4] =	ssyncset.s32 $0xFFFFF086  }
0x25: {  	[simem:s6], [sflag:s4] =	dma.local [hbm:s3], $0xF7A  }
0x26: {  	[smem:$0x3F9F] =	sst s1;
	(tag) =	ssettag s2;
	_ =	strace s9  }
0x27: {  	s1 =	sld [smem:$0x3FAF]  }
0x28: {  	s2 =	sld [smem:$0x3FB0]  }
0x29: {  	s4 =	sld [smem:$0x3FB2]  }
0x2a: {  	p0 =	seq.s32 s5, $0x0;
	s5 =	sld [smem:$0x3FB3]  }
0x2b: {  	s6 =	sld [smem:$0x3FB4]  }
0x2c: {  	s7 =	sld [smem:$0x3FB5]  }
0x2d: {  	s3 =	simm.s32 $0x108;
	s8 =	sld [smem:$0x3FB6]  }
0x2e: {  	s3 =	simm.s32 @!p0 $0x1082;
	s9 =	sld [smem:$0x3FB7]  }
0x2f: {  	lr =	sadd.s32 s0, s3;
	s0 =	sld [smem:$0x3FAE]  }
0x30: {  	s3 =	sld [smem:$0x3FB1]  }
0x31: {  	[smem:$0x3FBA] =	sst s10  }
0x32: {  	s10 =	sld [smem:$0x3FB8];
	_ =	sdelay $0x3  }
0x33: {  	p0 =	seq.s32 s10, $0x1;
	s10 =	sld [smem:$0x3FBA];
	_ =	sdelay $0x3  }
0x34: {  	[smem:$0x3FBA] =	sst s10  }
0x35: {  	s10 =	sld [smem:$0x3FB9];
	_ =	sdelay $0x3  }
0x36: {  	p1 =	seq.s32 s10, $0x1;
	s10 =	sld [smem:$0x3FBA];
	_ =	sdelay $0x3  }
0x37: {  	[smem:$0x3FBA] =	sst s10  }
0x38: {  	s10 =	sld [smem:$0x3FBB]  }
0x39: {  	_ = 	snop;
	(pc) =	sbr.ind lr, $3  }
0x3a: {  	_ = 	snop  }
0x3b: {  	_ = 	snop  }
0x3c: {  	p2 =	seq.s32 s10, $0x1;
	s10 =	sld [smem:$0x3FBA]  }
0x3d: {  	_ =	shalt  }
0x3e: {  	_ =	shalt  }
0x3f: {  	_ =	shalt  }
0x40: {  	_ =	shalt  }
0x41: {  	_ =	shalt  }
0x42: {  	_ =	shalt  }
0x43: {  	_ =	shalt  }
0x44: {  	_ =	shalt  }
0x45: {  	_ =	shalt  }
0x46: {  	_ =	shalt  }
0x47: {  	_ =	shalt  }
0x48: {  	_ =	shalt  }
0x49: {  	_ =	shalt  }
0x4a: {  	_ =	shalt  }
0x4b: {  	_ =	shalt  }
0x4c: {  	_ =	shalt  }
0x4d: {  	_ =	shalt  }
0x4e: {  	_ =	shalt  }
0x4f: {  	_ =	shalt  }
0x50: {  	_ =	shalt  }
0x51: {  	_ =	shalt  }
0x52: {  	_ =	shalt  }
0x53: {  	_ =	shalt  }
0x54: {  	_ =	shalt  }
0x55: {  	_ =	shalt  }
0x56: {  	_ =	shalt  }
0x57: {  	_ =	shalt  }
0x58: {  	_ =	shalt  }
0x59: {  	_ =	shalt  }
0x5a: {  	_ =	shalt  }
0x5b: {  	_ =	shalt  }
0x5c: {  	_ =	shalt  }
0x5d: {  	_ =	shalt  }
0x5e: {  	_ =	shalt  }
0x5f: {  	_ =	shalt  }
0x60: {  	_ =	shalt  }
0x61: {  	_ =	shalt  }
0x62: {  	_ =	shalt  }
0x63: {  	_ =	shalt  }
0x64: {  	_ =	shalt  }
0x65: {  	_ =	shalt  }
0x66: {  	_ =	shalt  }
0x67: {  	_ =	shalt  }
0x68: {  	_ =	shalt  }
0x69: {  	_ =	shalt  }
0x6a: {  	_ =	shalt  }
0x6b: {  	_ =	shalt  }
0x6c: {  	_ =	shalt  }
0x6d: {  	_ =	shalt  }
0x6e: {  	_ =	shalt  }
0x6f: {  	_ =	shalt  }
0x70: {  	_ =	shalt  }
0x71: {  	_ =	shalt  }
0x72: {  	_ =	shalt  }
0x73: {  	_ =	shalt  }
0x74: {  	_ =	shalt  }
0x75: {  	_ =	shalt  }
0x76: {  	_ =	shalt  }
0x77: {  	_ =	shalt  }
0x78: {  	_ =	shalt  }
0x79: {  	_ =	shalt  }
0x7a: {  	_ =	shalt  }
0x7b: {  	_ =	shalt  }
0x7c: {  	_ =	shalt  }
0x7d: {  	_ =	shalt  }
0x7e: {  	_ =	shalt  }
0x7f: {  	_ =	shalt  }
0x80: {  	_ =	shalt  }
0x81: {  	_ =	shalt  }
0x82: {  	_ =	shalt  }
0x83: {  	_ =	shalt  }
0x84: {  	_ =	shalt  }
0x85: {  	_ =	shalt  }
0x86: {  	_ =	shalt  }
0x87: {  	_ =	shalt  }
.Lfunc_end0:
.L_simem_size_0:
called_computation_lowered:
.L_overlay_start_0:
0x88: {  	s0 =	sld [smem:$0x3FD9]  }
0x89: {  	s1 =	sld [smem:$0x3FFE];
	_ =	sdelay $0x3  }
0x8a: {  	s0 =	sadd.s32 s1, s0  }
0x8b: {  	[smem:$0x3FC6] =	sst s0  }
0x8c: {  	_ = 	snop  }
0x8d: {  	s0 =	sld [smem:$0x3FD0];
	(tm) =	ssettm $0x1  }
0x8e: {  	s16 =	sld [smem:$0x3FFB];
	_ =	sdelay $0x3  }
0x8f: {  	_ =	strace s16  }
0x90: {  	s1 =	sld [smem:$0x3FFC];
	_ =	sdelay $0x3  }
0x91: {  	_ =	strace s1  }
0x92: {  	s1 =	sld [smem:$0x3FFD];
	_ =	sdelay $0x3  }
0x93: {  	_ =	strace s1  }
0x94: {  	_ =	strace $0x8FFFFFFF  }
0x95: {  	s17 =	sld [smem:$0x3FDB];
	_ =	sdelay $0x1  }
0x96: {  	s2 =	simm.s32 $_scs_section_size  }
0x97: {  	s3 =	simm.s32 $_size__tile_overlayer_lowered;
	s4 =	simm.s32 $_tile_overlayer_lowered  }
0x98: {  	s20 =	simm.s32 $0x1BFF;
	s19 =	sshll.u32 s4, $0x1;
	s1 =	sadd.s32 s2, s17  }
0x99: {  	s5 =	simm.s32 $0x0;
	s18 =	sshll.u32 s3, $0x1;
	s3 =	sadd.s32 s19, s1  }
0x9a: {  	[timem:s5], [sflag:s20] =	dma.local [hbm:s3], s18  }
0x9b: {  	_ =	swait.ge [sflag:s20], s18  }
0x9c: {  	s2 =	ssub.s32 $0x0, s18;
	[sflag:s20] =	ssyncset.done $0x0  }
0x9d: {  	[sflag:s20] =	ssyncadd.s32 s2;
	_ =	sdelay $0x1  }
0x9e: {  	s21 =	simm.s32 $0x1B8B  }
0x9f: {  	_ =	swait.ge [sflag:s21], $0x1  }
0xa0: {  	[sflag:s21] =	ssyncset.done $0x0  }
0xa1: {  	s23 =	simm.s32 $0x1B8E;
	s22 =	sld [smem:$0x3FFE];
	[sflag:s21] =	ssyncadd.s32 $0xFFFFFFFF  }
0xa2: {  	s24 =	simm.s32 $execute0_lowered;
	[smem:$0x3FD2] =	sst s23  }
0xa3: {  	s3 =	sshll.u32 s24, $0x1;
	_ =	strace $0x8000004F;
	[dreg:$0x1] =	wrdreg $0xFFFFFFFF  }
0xa4: {  	s25 =	simm.s32 $_size_execute0_lowered;
	s1 =	sadd.s32 s1, s3;
	[dreg:$0x0] =	wrdreg $0x0  }
0xa5: {  	s3 =	sshll.u32 s25, $0x1;
	[dreg:$0x2] =	wrdreg s1  }
0xa6: {  	[dreg:$0x3] =	wrdreg s3  }
0xa7: {  	[dreg:$0x4] =	wrdreg $0xC0  }
0xa8: {  	_ =	task [dreg:s5], $0x5FFFF  }
0xa9: {  	[dreg:$0x1] =	wrdreg $0xFFFFFFFF  }
0xaa: {  	[dreg:$0x0] =	wrdreg $0x60  }
0xab: {  	[dreg:$0x2] =	wrdreg s22  }
0xac: {  	[dreg:$0x3] =	wrdreg s0  }
0xad: {  	[dreg:$0x4] =	wrdreg $0xB  }
0xae: {  	_ =	task.clear_ibuf [dreg:s5], $0x5FFFF;
	_ =	strace $0x9000004F  }
0xaf: {  	s26 =	simm.s32 $0xB;
	_ =	strace $0x80000051  }
0xb0: {  	_ =	swait.ge [sflag:s26], $0x1  }
0xb1: {  	[sflag:s26] =	ssyncadd.s32 $0xFFFFFFFF  }
0xb2: {  	_ =	strace $0x90000051  }
0xb3: {  	_ =	sfence  }
0xb4: {  	s28 =	sld [smem:$0x0];
	_ =	sdelay $0x1  }
0xb5: {  	s29 =	srdreg.scid  }
0xb6: {  	s30 =	sshll.u32 s29, $0xD;
	s31 =	sshrl.u32 s29, $0x2  }
0xb7: {  	s2 =	sand.u32 $0x4000, s30;
	s1 =	sand.u32 $0x1, s29;
	s0 =	sadd.s32 s31, s28  }
0xb8: {  	s1 =	sor.u32 s2, s1;
	s0 =	sshll.u32 s0, $0x11  }
0xb9: {  	s0 =	sor.u32 s0, s1  }
0xba: {  	s0 =	sadd.s32 $0x8F2B, s0  }
0xbb: {  	[sflag:s0] =	ssyncadd.remote.s32 $0x1  }
0xbc: {  	_ =	sfence.sel $0xFFFF  }
0xbd: {  	[dreg:$0x0] =	wrdreg $0xFFFFFFFF;
	(pc) =	sbr.abs _section_cstart, $3  }
0xbe: {  	[dreg:$0x1] =	wrdreg $0xFFFFFFFF  }
0xbf: {  	_ =	task.clear_ibuf [dreg:s5], $0x2FFFF;
	_ =	strace $0x9FFFFFFF  }
0xc0: {  	(tm) =	ssettm $0x7FFFFFFF  }
0xc1: {  	_ =	shalt  }
tec
execute0_lowered:
.L_overlay_start_1:
0x0: {  	(tag) =	ssettag $0x1  }
0x1: {  	s2 =	rddreg [dreg:$0x0]  }
0x2: {  	s3 =	rddreg [dreg:$0x1]  }
0x3: {  	s0 =	rddreg [dreg:$0x2];
	s1 =	stileid.u32;
	_ =	strace $0x80000050  }
0x4: {  	s5 =	simm.s32 $0x1;
	s6 =	simm.s32 $0x500;
	s8 =	simm.s32 $0x1  }
0x5: {  	s9 =	simm.s32 $0x3;
	s10 =	simm.s32 $0x0;
	s4 =	smul.u32 $0x50, s1  }
0x6: {  	s13 =	simm.s32 $0x0;
	s12 =	simm.s32 $0x0;
	p0 =	slt.u32 s1, $0xA  }
.Ltmp0:
0x7: {  	s6 =	simm.s32 @!p0 $0x0;
	s7 =	ssub.s32 $0x7D0, s4;
	(pc) =	sbr.rel .LBB2_1-.Ltmp0, $4  }
0x8: {  	s8 =	simm.s32 @!p0 $0x0;
	p0 =	sne.s32 s7, s6;
	s7 =	simm.s32 $0x1  }
0x9: {  	[sflag:s5] =	ssyncpa.u1 $0x0;
	s6 =	simm.s32 $0x2;
	s7 =	simm.s32 @!p0 $0x0  }
0xa: {  	s11 =	smov.u32 s4;
	[sflag:s6] =	ssyncpa.u1 $0x0;
	s7 =	sadd.s32 s8, s7  }
0xb: {  	vm0 =	vmmov $0xffff;
	s8 =	sadd.s32 $0x1E00, s2;
	[sflag:s9] =	ssyncpa.u1 $0x0;
	s9 =	sadd.s32 $0x1, s7  }
.LBB2_4:
0xc: {  	v2 =	vnsel vm1, $0x0, v2  }
0xd: {  	vm1 =	vgt.s32 v0, $0x0;
	v2 =	vmin.u32 v2, $0x4E1F  }
0xe: {  	v0 =	vnsel vm1, $0x0, v0  }
0xf: {  	v0 =	vmin.u32 v0, $0x4E1F  }
0x10: {  	[tilespmem:s18], [sflag:$0x1] =	stream.indirect_vreg.gather [hbm4b:s2+s10], $0x1, v1, vm0, $0x4038;
	[tilespmem:$0x140] =	vst v63  }
0x11: {  	(ifvalue) =	ssetifvalue $0x7FFFFFFF  }
0x12: {  	[tilespmem:s15], [sflag:$0x1] =	stream.indirect_vreg.gather [hbm4b:s2+s10], $0x1, v2, vm0, $0x4038;
	[tilespmem:$0x140] =	vst v63  }
0x13: {  	s29 =	sadd.s32 $0x10, s15;
	(ifvalue) =	ssetifvalue $0x7FFFFFFF  }
0x14: {  	[tilespmem:s29], [sflag:$0x1] =	stream.indirect_vreg.gather [hbm4b:s2+s10], $0x1, v0, vm0, $0x4038;
	[tilespmem:$0x140] =	vst v63  }
0x15: {  	_ =	swait.ge [sflag:s5], $0x50  }
0x16: {  	s30 =	sshrl.u32 s13, $0x3;
	[sflag:s5] =	ssyncset.done $0x0  }
0x17: {  	s31 =	sand.u32 $0x7, s13;
	s15 =	sadd.s32 s8, s30;
	[sflag:s5] =	ssyncadd.s32 $0xFFFFFFB0  }
0x18: {  	[hbm4b:s15+s31] =	stream.linear.scatter [tilespmem:s14], [sflag:$0x3], $0x50, $0x38;
	[tilespmem:$0x140] =	vst v63  }
.LBB2_5:
0x19: {  	s15 =	sadd.s32 $0x500, s11  }
0x1a: {  	p1 =	sgt.s32 s15, $0x7CF  }
0x1b: {  	s15 =	smov.u32 @p1 s4;
	p1 =	sne.s32 s12, s9  }
.Ltmp1:
0x1c: {  	p0 =	slt.u32 s12, $0x2;
	(pc) =	sbr.rel @!p1 .LBB2_6-.Ltmp1, $4  }
0x1d: {  	s14 =	simm.s32 @!p0 $0x3  }
0x1e: {  	_ =	swait.ge @!p0 [sflag:s14], $0x50  }
0x1f: {  	s16 =	sadd.s32 $0x1, s12;
	s13 =	smov.u32 s11;
	[sflag:s14] =	ssyncset.done @!p0 $0x0  }
0x20: {  	s12 =	smov.u32 s16;
	s11 =	smov.u32 s15;
	[sflag:s14] =	ssyncadd.s32 @!p0 $0xFFFFFFB0  }
.LBB2_1:
0x21: {  	p0 =	sge.u32 s12, s7  }
0x22: {  	s14 =	sxor.u32 @!p0 $0x1, s12  }
0x23: {  	s14 =	smul.u32 @!p0 $0x140, s14  }
0x24: {  	s31 =	sadd.s32 $0xFFFFFFFF, s12;
	s15 =	sshrl.u32 @!p0 s11, $0x3  }
0x25: {  	s16 =	sand.u32 @!p0 $0x7, s11;
	s15 =	sadd.s32 @!p0 s3, s15;
	s14 =	sshra.s32 @!p0 s14, $0x2  }
0x26: {  	[tilespmem:s14], [sflag:$0x2] =	stream.linear.gather @!p0 [hbm4b:s15+s16], $0x50, $0x38;
	[tilespmem:$0x140] =	vst v63  }
0x27: {  	p0 =	sge.u32 s31, s7  }
.Ltmp2:
0x28: {  	_ = 	snop;
	(pc) =	sbr.rel @p0 .LBB2_5-.Ltmp2, $1  }
0x29: {  	_ =	sdelay $0x3  }
0x2a: {  	s14 =	sand.u32 $0x1, s12  }
0x2b: {  	_ =	swait.ge [sflag:s6], $0x50;
	p0 =	seq.s32 s14, $0x1;
	s14 =	simm.s32 $0x50  }
0x2c: {  	[sflag:s6] =	ssyncset.done $0x0;
	s14 =	simm.s32 @!p0 $0x0  }
0x2d: {  	[sflag:s6] =	ssyncadd.s32 $0xFFFFFFB0;
	(ifvalue) =	ssetifvalue $0x7FFFFFFF;
	v0 =	vld.msk [tilespmem:s14+$0x0 ss:$0x1], $0xffff;
	_ =	sdelay $0x4  }
0x2e: {  	s15 =	sadd.s32 $0x10, s14;
	vm1 =	vgt.s32 v0, $0x0  }
0x2f: {  	v2 =	vld.msk [tilespmem:s15+$0x0 ss:$0x1], $0xffff;
	v1 =	vnsel vm1, $0x0, v0  }
0x30: {  	v1 =	vmin.u32 v1, $0x4E1F;
	_ =	sdelay $0x2  }
0x31: {  	s17 =	simm.s32 $0x20;
	s14 =	sor.u32 $0xA0, s14;
	s16 =	sadd.s32 $0x10, s15  }
0x32: {  	s15 =	sadd.s32 $0x10, s14;
	s18 =	smov.u32 s14;
	v0 =	vld.msk [tilespmem:s16+$0x0 ss:$0x1], $0xffff;
	vm1 =	vgt.s32 v2, $0x0;
	(ifvalue) =	ssetifvalue $0x7FFFFFFF  }
.LBB2_3:
0x33: {  	[tilespmem:s18], [sflag:$0x1] =	stream.indirect_vreg.gather [hbm4b:s2+s10], $0x1, v1, vm0, $0x4038;
	[tilespmem:$0x140] =	vst v63  }
0x34: {  	s17 =	sadd.s32 $0x10, s17  }
0x35: {  	v2 =	vnsel vm1, $0x0, v2;
	p0 =	slt.u32 s17, $0x40  }
.Ltmp3:
0x36: {  	s18 =	smov.u32 s15;
	v1 =	vmin.u32 v2, $0x4E1F;
	(pc) =	sbr.rel @p0 .LBB2_3-.Ltmp3, $3  }
0x37: {  	_ =	sdelay $0x1  }
0x38: {  	s16 =	sadd.s32 $0x10, s16  }
0x39: {  	vm1 =	vgt.s32 v0, $0x0;
	s15 =	sadd.s32 $0x10, s15;
	v2 =	vmov v0;
	(ifvalue) =	ssetifvalue $0x7FFFFFFF;
	v0 =	vld.msk [tilespmem:s16+$0x0 ss:$0x1], $0xffff  }
.Ltmp4:
0x3a: {  	_ = 	snop;
	(pc) =	sbr.rel .LBB2_4-.Ltmp4, $1  }
0x3b: {  	_ =	sdelay $0x3  }
.LBB2_6:
0x3c: {  	_ =	sfence.sel $0x180000  }
0x3d: {  	s2 =	simm.s32 $0x2;
	[bflag:$0x0] =	sbarrier.arrive $0xFFFF  }
0x3e: {  	s30 =	simm.s32 $0x3;
	[sflag:s2] =	ssyncpa.u1 $0x1  }
0x3f: {  	s31 =	simm.s32 $0x1;
	[sflag:s30] =	ssyncpa.u1 $0x1  }
0x40: {  	[sflag:s31] =	ssyncpa.u1 $0x1  }
0x41: {  	p0 =	sne.s32 s1, $0x0;
	_ =	strace $0x90000050  }
0x42: {  	s0 =	sadd.s32 @!p0 $0x100000, s0;
	[bflag:$0x2] =	sbarrier.arrive $0xFFFF  }
0x43: {  	[sflag:s0] =	ssyncadd.tile.s32 @!p0 $0x1;
	_ =	shalt  }
.Lfunc_end2:
_tile_overlayer_lowered:
.L_overlay_start_2:
0x44: {  	(tag) =	ssettag $0x2  }
0x45: {  	s0 =	rddreg [dreg:$0x0];
	s2 =	stileid.u32  }
0x46: {  	s1 =	rddreg [dreg:$0x1];
	p0 =	sne.s32 s2, $0x0  }
0x47: {  	s3 =	rddreg [dreg:$0x2];
	[bflag:$0x3] =	sbarrier.arrive $0xFFFF;
	s2 =	simm.s32 @!p0 $0x1C01  }
0x48: {  	[timem:s3], [sflag:s2] =	dma.local @!p0 [hbm:s0], s1  }
0x49: {  	s0 =	simm.s32 @!p0 $0x1  }
0x4a: {  	_ =	swait.ge @!p0 [sflag:s0], s1  }
0x4b: {  	s1 =	ssub.s32 @!p0 $0x0, s1;
	[sflag:s0] =	ssyncset.done @!p0 $0x0  }
0x4c: {  	[sflag:s0] =	ssyncadd.s32 @!p0 s1  }
0x4d: {  	[bflag:$0x3] =	sbarrier.arrive $0xFFFF  }
0x4e: {  	_ =	shalt  }

</sc_bundles>
